<compile_context>
chip_gen: v7x
topology: tpu7x:2x2x1
jax: 0.10.2.dev20260603
libtpu: 0.0.44.dev20260713+nightly
codegen_flags: <defaults>
</compile_context>

<pallas_src>
import functools

import jax
import jax.numpy as jnp
from jax import lax
from jax.experimental import pallas as pl
from jax.experimental.pallas import tpu as pltpu
from jax.experimental.pallas import tpu_sc as plsc

VOCAB = 1000000
EMBED = 64
BATCH = 16384
NEG_K = 20

_info = plsc.get_sparse_core_info()
_NC, _NS = _info.num_cores, _info.num_subcores
_NW = _NC * _NS
_BPW = BATCH // _NW
_CHUNK = _BPW
_NEG_CHUNKS = NEG_K


def _body(center_hbm, pos_hbm, negf_hbm, in_hbm, out_hbm,
          emb_out, pos_out, neg_out,
          idx_v, rows_v, sem):
    wid = lax.axis_index("s") * _NC + lax.axis_index("c")
    base = wid * _BPW

    def one(idx_src, idx_off, table, dst, dst_off):
        pltpu.sync_copy(idx_src.at[pl.ds(idx_off, _CHUNK)], idx_v)
        pltpu.async_copy(table.at[idx_v], rows_v, sem).wait()
        pltpu.sync_copy(rows_v, dst.at[pl.ds(dst_off, _CHUNK)])

    one(center_hbm, base, in_hbm, emb_out, base)
    one(pos_hbm, base, out_hbm, pos_out, base)
    nbase = base * NEG_K
    for c in range(_NEG_CHUNKS):
        one(negf_hbm, nbase + c * _CHUNK, out_hbm, neg_out, nbase + c * _CHUNK)


@jax.jit
def _run(center_word, pos_word, neg_flat, in_embed, out_embed):
    mesh = plsc.VectorSubcoreMesh(core_axis_name="c", subcore_axis_name="s")
    f = pl.kernel(
        _body,
        mesh=mesh,
        out_type=(
            jax.ShapeDtypeStruct((BATCH, EMBED), jnp.float32),
            jax.ShapeDtypeStruct((BATCH, EMBED), jnp.float32),
            jax.ShapeDtypeStruct((BATCH * NEG_K, EMBED), jnp.float32),
        ),
        scratch_types=[
            pltpu.VMEM((_CHUNK,), jnp.int32),
            pltpu.VMEM((_CHUNK, EMBED), jnp.float32),
            pltpu.SemaphoreType.DMA,
        ],
        compiler_params=pltpu.CompilerParams(use_tc_tiling_on_sc=False),
    )
    return f(center_word, pos_word, neg_flat, in_embed, out_embed)


def kernel(center_word, pos_word, neg_word, in_embed, out_embed):
    neg_flat = neg_word.reshape(-1)
    emb, pos, negf = _run(center_word, pos_word, neg_flat, in_embed, out_embed)
    return (emb, pos, negf.reshape(BATCH, NEG_K, EMBED))

# --- scband reference (transcript-rebuilt; emitter-appended) ---
"""Pipeline reference for scband-embedding-model-30940944400785 (READ-ONLY COPY).

The authoritative reference and input builder live on the scoring server;
editing this copy changes nothing except your own understanding.
"""

import jax, jax.numpy as jnp
import numpy as np

VOCAB = 1000000
EMBED = 64
BATCH = 16384
NEG_K = 20

def setup_inputs(seed: int = 0) -> dict:
    key = jax.random.key(seed)
    k1, k2, k3, k4, k5 = jax.random.split(key, 5)
    center_word = jax.random.randint(k1, (BATCH,), 0, VOCAB, dtype=jnp.int64 if jax.config.jax_enable_x64 else jnp.int32).astype(jnp.int32)
    pos_word = jax.random.randint(k2, (BATCH,), 0, VOCAB).astype(jnp.int32)
    neg_word = jax.random.randint(k3, (BATCH, NEG_K), 0, VOCAB).astype(jnp.int32)
    in_embed = (jax.random.normal(k4, (VOCAB, EMBED), dtype=jnp.float32) * 0.02)
    out_embed = (jax.random.normal(k5, (VOCAB, EMBED), dtype=jnp.float32) * 0.02)
    return {"center_word": center_word, "pos_word": pos_word, "neg_word": neg_word,
            "in_embed": in_embed, "out_embed": out_embed}

def reference(center_word, pos_word, neg_word, in_embed, out_embed):
    # Faithful translation of Embedding_model.forward: three embedding gathers
    # (skip-gram with negative sampling lookups).
    embedding = jnp.take(in_embed, center_word, axis=0)      # [B, D]
    pos_out = jnp.take(out_embed, pos_word, axis=0)          # [B, D]
    neg_out = jnp.take(out_embed, neg_word, axis=0)          # [B, K, D]
    return (embedding, pos_out, neg_out)

if __name__ == "__main__":
    import jax
    _d = setup_inputs()
    print(jax.jit(kernel)(*tuple(_d.values())))

</pallas_src>

<mosaic_0001>
#map = affine_map<(d0, d1) -> (0)>
#map1 = affine_map<(d0, d1) -> (0, 0)>
module attributes {stable_mosaic.version = 14 : i64} {
  func.func @_body(%arg0: i32, %arg1: i32, %arg2: memref<16384xi32, #tpu.memory_space<hbm>>, %arg3: memref<16384xi32, #tpu.memory_space<hbm>>, %arg4: memref<327680xi32, #tpu.memory_space<hbm>>, %arg5: memref<1000000x64xf32, #tpu.memory_space<hbm>>, %arg6: memref<1000000x64xf32, #tpu.memory_space<hbm>>, %arg7: memref<16384x64xf32, #tpu.memory_space<hbm>>, %arg8: memref<16384x64xf32, #tpu.memory_space<hbm>>, %arg9: memref<327680x64xf32, #tpu.memory_space<hbm>>, %arg10: memref<512xi32, #tpu.memory_space<vmem>>, %arg11: memref<512x64xf32, #tpu.memory_space<vmem>>, %arg12: memref<!tpu.dma_semaphore, #tpu.memory_space<semaphore_mem>>) attributes {dimension_semantics = [#tpu.dimension_semantics<core_parallel>, #tpu.dimension_semantics<subcore_parallel>], iteration_bounds = array<i64: 2, 16>, scalar_prefetch = 0 : i64, scratch_operands = 3 : i64, tpu.core_type = #tpu.core_type<sc_vector_subcore>, window_params = [{transform_indices = #map}, {transform_indices = #map}, {transform_indices = #map}, {transform_indices = #map1}, {transform_indices = #map1}, {transform_indices = #map1}, {transform_indices = #map1}, {transform_indices = #map1}]} {
    %mul3A = arith.constant 2 : i32
    %mul3A_0 = arith.muli %arg1, %mul3A : i32
    %add3A = arith.addi %mul3A_0, %arg0 : i32
    %mul3A_1 = arith.constant 512 : i32
    %mul3A_2 = arith.muli %add3A, %mul3A_1 : i32
    "tpu.region"() ({
      %run_scoped3A = tpu.sem_alloc : memref<!tpu.dma_semaphore, #tpu.memory_space<semaphore_mem>>
      %dma_start3A_215 = tpu.memref_slice %arg2[%mul3A_2] : memref<16384xi32, #tpu.memory_space<hbm>> -> memref<512xi32, #tpu.memory_space<hbm>>
      %dma_start3A_216 = tpu.memref_slice %arg2[%mul3A_2] : memref<16384xi32, #tpu.memory_space<hbm>> -> memref<512xi32, #tpu.memory_space<hbm>>
      tpu.enqueue_dma source(%dma_start3A_216 : memref<512xi32, #tpu.memory_space<hbm>>) target(%arg10 : memref<512xi32, #tpu.memory_space<vmem>>) target_semaphore(%run_scoped3A : memref<!tpu.dma_semaphore, #tpu.memory_space<semaphore_mem>>)
      %dma_wait3A_217 = tpu.memref_slice %arg2[%mul3A_2] : memref<16384xi32, #tpu.memory_space<hbm>> -> memref<512xi32, #tpu.memory_space<hbm>>
      %dma_wait3A_218 = tpu.memref_slice %arg2[%mul3A_2] : memref<16384xi32, #tpu.memory_space<hbm>> -> memref<512xi32, #tpu.memory_space<hbm>>
      tpu.wait_dma2 semaphore(%run_scoped3A : memref<!tpu.dma_semaphore, #tpu.memory_space<semaphore_mem>>) src(%dma_wait3A_218 : memref<512xi32, #tpu.memory_space<hbm>>) dst(%arg10 : memref<512xi32, #tpu.memory_space<vmem>>)
      tpu.yield
    }) : () -> ()
    %dma_start3A = arith.constant 0 : i32
    %dma_start3A_3 = arith.constant 0 : i32
    %dma_start3A_4 = tpu.memref_slice %arg5[%dma_start3A, %dma_start3A_3] : memref<1000000x64xf32, #tpu.memory_space<hbm>> -> memref<1000000x64xf32, #tpu.memory_space<hbm>>
    tpu.enqueue_indirect_dma source(%dma_start3A_4 : memref<1000000x64xf32, #tpu.memory_space<hbm>>) target(%arg11 : memref<512x64xf32, #tpu.memory_space<vmem>>) offsets(%arg10 : memref<512xi32, #tpu.memory_space<vmem>>) semaphore(%arg12 : memref<!tpu.dma_semaphore, #tpu.memory_space<semaphore_mem>>)
    %dma_wait3A = arith.constant 0 : i32
    %dma_wait3A_5 = arith.constant 0 : i32
    %dma_wait3A_6 = tpu.memref_slice %arg5[%dma_wait3A, %dma_wait3A_5] : memref<1000000x64xf32, #tpu.memory_space<hbm>> -> memref<1000000x64xf32, #tpu.memory_space<hbm>>
    tpu.wait_indirect_dma semaphore(%arg12 : memref<!tpu.dma_semaphore, #tpu.memory_space<semaphore_mem>>) src(%dma_wait3A_6 : memref<1000000x64xf32, #tpu.memory_space<hbm>>) dst(%arg11 : memref<512x64xf32, #tpu.memory_space<vmem>>)
    "tpu.region"() ({
      %run_scoped3A = tpu.sem_alloc : memref<!tpu.dma_semaphore, #tpu.memory_space<semaphore_mem>>
      %dma_start3A_215 = arith.constant 0 : i32
      %dma_start3A_216 = tpu.memref_slice %arg7[%mul3A_2, %dma_start3A_215] : memref<16384x64xf32, #tpu.memory_space<hbm>> -> memref<512x64xf32, #tpu.memory_space<hbm>>
      %dma_start3A_217 = arith.constant 0 : i32
      %dma_start3A_218 = tpu.memref_slice %arg7[%mul3A_2, %dma_start3A_217] : memref<16384x64xf32, #tpu.memory_space<hbm>> -> memref<512x64xf32, #tpu.memory_space<hbm>>
      tpu.enqueue_dma source(%arg11 : memref<512x64xf32, #tpu.memory_space<vmem>>) target(%dma_start3A_218 : memref<512x64xf32, #tpu.memory_space<hbm>>) target_semaphore(%run_scoped3A : memref<!tpu.dma_semaphore, #tpu.memory_space<semaphore_mem>>)
      %dma_wait3A_219 = arith.constant 0 : i32
      %dma_wait3A_220 = tpu.memref_slice %arg7[%mul3A_2, %dma_wait3A_219] : memref<16384x64xf32, #tpu.memory_space<hbm>> -> memref<512x64xf32, #tpu.memory_space<hbm>>
      %dma_wait3A_221 = arith.constant 0 : i32
      %dma_wait3A_222 = tpu.memref_slice %arg7[%mul3A_2, %dma_wait3A_221] : memref<16384x64xf32, #tpu.memory_space<hbm>> -> memref<512x64xf32, #tpu.memory_space<hbm>>
      tpu.wait_dma2 semaphore(%run_scoped3A : memref<!tpu.dma_semaphore, #tpu.memory_space<semaphore_mem>>) src(%arg11 : memref<512x64xf32, #tpu.memory_space<vmem>>) dst(%dma_wait3A_222 : memref<512x64xf32, #tpu.memory_space<hbm>>)
      tpu.yield
    }) : () -> ()
    "tpu.region"() ({
      %run_scoped3A = tpu.sem_alloc : memref<!tpu.dma_semaphore, #tpu.memory_space<semaphore_mem>>
      %dma_start3A_215 = tpu.memref_slice %arg3[%mul3A_2] : memref<16384xi32, #tpu.memory_space<hbm>> -> memref<512xi32, #tpu.memory_space<hbm>>
      %dma_start3A_216 = tpu.memref_slice %arg3[%mul3A_2] : memref<16384xi32, #tpu.memory_space<hbm>> -> memref<512xi32, #tpu.memory_space<hbm>>
      tpu.enqueue_dma source(%dma_start3A_216 : memref<512xi32, #tpu.memory_space<hbm>>) target(%arg10 : memref<512xi32, #tpu.memory_space<vmem>>) target_semaphore(%run_scoped3A : memref<!tpu.dma_semaphore, #tpu.memory_space<semaphore_mem>>)
      %dma_wait3A_217 = tpu.memref_slice %arg3[%mul3A_2] : memref<16384xi32, #tpu.memory_space<hbm>> -> memref<512xi32, #tpu.memory_space<hbm>>
      %dma_wait3A_218 = tpu.memref_slice %arg3[%mul3A_2] : memref<16384xi32, #tpu.memory_space<hbm>> -> memref<512xi32, #tpu.memory_space<hbm>>
      tpu.wait_dma2 semaphore(%run_scoped3A : memref<!tpu.dma_semaphore, #tpu.memory_space<semaphore_mem>>) src(%dma_wait3A_218 : memref<512xi32, #tpu.memory_space<hbm>>) dst(%arg10 : memref<512xi32, #tpu.memory_space<vmem>>)
      tpu.yield
    }) : () -> ()
    %dma_start3A_7 = arith.constant 0 : i32
    %dma_start3A_8 = arith.constant 0 : i32
    %dma_start3A_9 = tpu.memref_slice %arg6[%dma_start3A_7, %dma_start3A_8] : memref<1000000x64xf32, #tpu.memory_space<hbm>> -> memref<1000000x64xf32, #tpu.memory_space<hbm>>
    tpu.enqueue_indirect_dma source(%dma_start3A_9 : memref<1000000x64xf32, #tpu.memory_space<hbm>>) target(%arg11 : memref<512x64xf32, #tpu.memory_space<vmem>>) offsets(%arg10 : memref<512xi32, #tpu.memory_space<vmem>>) semaphore(%arg12 : memref<!tpu.dma_semaphore, #tpu.memory_space<semaphore_mem>>)
    %dma_wait3A_10 = arith.constant 0 : i32
    %dma_wait3A_11 = arith.constant 0 : i32
    %dma_wait3A_12 = tpu.memref_slice %arg6[%dma_wait3A_10, %dma_wait3A_11] : memref<1000000x64xf32, #tpu.memory_space<hbm>> -> memref<1000000x64xf32, #tpu.memory_space<hbm>>
    tpu.wait_indirect_dma semaphore(%arg12 : memref<!tpu.dma_semaphore, #tpu.memory_space<semaphore_mem>>) src(%dma_wait3A_12 : memref<1000000x64xf32, #tpu.memory_space<hbm>>) dst(%arg11 : memref<512x64xf32, #tpu.memory_space<vmem>>)
    "tpu.region"() ({
      %run_scoped3A = tpu.sem_alloc : memref<!tpu.dma_semaphore, #tpu.memory_space<semaphore_mem>>
      %dma_start3A_215 = arith.constant 0 : i32
      %dma_start3A_216 = tpu.memref_slice %arg8[%mul3A_2, %dma_start3A_215] : memref<16384x64xf32, #tpu.memory_space<hbm>> -> memref<512x64xf32, #tpu.memory_space<hbm>>
      %dma_start3A_217 = arith.constant 0 : i32
      %dma_start3A_218 = tpu.memref_slice %arg8[%mul3A_2, %dma_start3A_217] : memref<16384x64xf32, #tpu.memory_space<hbm>> -> memref<512x64xf32, #tpu.memory_space<hbm>>
      tpu.enqueue_dma source(%arg11 : memref<512x64xf32, #tpu.memory_space<vmem>>) target(%dma_start3A_218 : memref<512x64xf32, #tpu.memory_space<hbm>>) target_semaphore(%run_scoped3A : memref<!tpu.dma_semaphore, #tpu.memory_space<semaphore_mem>>)
      %dma_wait3A_219 = arith.constant 0 : i32
      %dma_wait3A_220 = tpu.memref_slice %arg8[%mul3A_2, %dma_wait3A_219] : memref<16384x64xf32, #tpu.memory_space<hbm>> -> memref<512x64xf32, #tpu.memory_space<hbm>>
      %dma_wait3A_221 = arith.constant 0 : i32
      %dma_wait3A_222 = tpu.memref_slice %arg8[%mul3A_2, %dma_wait3A_221] : memref<16384x64xf32, #tpu.memory_space<hbm>> -> memref<512x64xf32, #tpu.memory_space<hbm>>
      tpu.wait_dma2 semaphore(%run_scoped3A : memref<!tpu.dma_semaphore, #tpu.memory_space<semaphore_mem>>) src(%arg11 : memref<512x64xf32, #tpu.memory_space<vmem>>) dst(%dma_wait3A_222 : memref<512x64xf32, #tpu.memory_space<hbm>>)
      tpu.yield
    }) : () -> ()
    %mul3A_13 = arith.constant 20 : i32
    %mul3A_14 = arith.muli %mul3A_2, %mul3A_13 : i32
    %add3A_15 = arith.constant 0 : i32
    %add3A_16 = arith.addi %mul3A_14, %add3A_15 : i32
    %add3A_17 = arith.constant 0 : i32
    %add3A_18 = arith.addi %mul3A_14, %add3A_17 : i32
    "tpu.region"() ({
      %run_scoped3A = tpu.sem_alloc : memref<!tpu.dma_semaphore, #tpu.memory_space<semaphore_mem>>
      %dma_start3A_215 = tpu.memref_slice %arg4[%add3A_16] : memref<327680xi32, #tpu.memory_space<hbm>> -> memref<512xi32, #tpu.memory_space<hbm>>
      %dma_start3A_216 = tpu.memref_slice %arg4[%add3A_16] : memref<327680xi32, #tpu.memory_space<hbm>> -> memref<512xi32, #tpu.memory_space<hbm>>
      tpu.enqueue_dma source(%dma_start3A_216 : memref<512xi32, #tpu.memory_space<hbm>>) target(%arg10 : memref<512xi32, #tpu.memory_space<vmem>>) target_semaphore(%run_scoped3A : memref<!tpu.dma_semaphore, #tpu.memory_space<semaphore_mem>>)
      %dma_wait3A_217 = tpu.memref_slice %arg4[%add3A_16] : memref<327680xi32, #tpu.memory_space<hbm>> -> memref<512xi32, #tpu.memory_space<hbm>>
      %dma_wait3A_218 = tpu.memref_slice %arg4[%add3A_16] : memref<327680xi32, #tpu.memory_space<hbm>> -> memref<512xi32, #tpu.memory_space<hbm>>
      tpu.wait_dma2 semaphore(%run_scoped3A : memref<!tpu.dma_semaphore, #tpu.memory_space<semaphore_mem>>) src(%dma_wait3A_218 : memref<512xi32, #tpu.memory_space<hbm>>) dst(%arg10 : memref<512xi32, #tpu.memory_space<vmem>>)
      tpu.yield
    }) : () -> ()
    %dma_start3A_19 = arith.constant 0 : i32
    %dma_start3A_20 = arith.constant 0 : i32
    %dma_start3A_21 = tpu.memref_slice %arg6[%dma_start3A_19, %dma_start3A_20] : memref<1000000x64xf32, #tpu.memory_space<hbm>> -> memref<1000000x64xf32, #tpu.memory_space<hbm>>
    tpu.enqueue_indirect_dma source(%dma_start3A_21 : memref<1000000x64xf32, #tpu.memory_space<hbm>>) target(%arg11 : memref<512x64xf32, #tpu.memory_space<vmem>>) offsets(%arg10 : memref<512xi32, #tpu.memory_space<vmem>>) semaphore(%arg12 : memref<!tpu.dma_semaphore, #tpu.memory_space<semaphore_mem>>)
    %dma_wait3A_22 = arith.constant 0 : i32
    %dma_wait3A_23 = arith.constant 0 : i32
    %dma_wait3A_24 = tpu.memref_slice %arg6[%dma_wait3A_22, %dma_wait3A_23] : memref<1000000x64xf32, #tpu.memory_space<hbm>> -> memref<1000000x64xf32, #tpu.memory_space<hbm>>
    tpu.wait_indirect_dma semaphore(%arg12 : memref<!tpu.dma_semaphore, #tpu.memory_space<semaphore_mem>>) src(%dma_wait3A_24 : memref<1000000x64xf32, #tpu.memory_space<hbm>>) dst(%arg11 : memref<512x64xf32, #tpu.memory_space<vmem>>)
    "tpu.region"() ({
      %run_scoped3A = tpu.sem_alloc : memref<!tpu.dma_semaphore, #tpu.memory_space<semaphore_mem>>
      %dma_start3A_215 = arith.constant 0 : i32
      %dma_start3A_216 = tpu.memref_slice %arg9[%add3A_18, %dma_start3A_215] : memref<327680x64xf32, #tpu.memory_space<hbm>> -> memref<512x64xf32, #tpu.memory_space<hbm>>
      %dma_start3A_217 = arith.constant 0 : i32
      %dma_start3A_218 = tpu.memref_slice %arg9[%add3A_18, %dma_start3A_217] : memref<327680x64xf32, #tpu.memory_space<hbm>> -> memref<512x64xf32, #tpu.memory_space<hbm>>
      tpu.enqueue_dma source(%arg11 : memref<512x64xf32, #tpu.memory_space<vmem>>) target(%dma_start3A_218 : memref<512x64xf32, #tpu.memory_space<hbm>>) target_semaphore(%run_scoped3A : memref<!tpu.dma_semaphore, #tpu.memory_space<semaphore_mem>>)
      %dma_wait3A_219 = arith.constant 0 : i32
      %dma_wait3A_220 = tpu.memref_slice %arg9[%add3A_18, %dma_wait3A_219] : memref<327680x64xf32, #tpu.memory_space<hbm>> -> memref<512x64xf32, #tpu.memory_space<hbm>>
      %dma_wait3A_221 = arith.constant 0 : i32
      %dma_wait3A_222 = tpu.memref_slice %arg9[%add3A_18, %dma_wait3A_221] : memref<327680x64xf32, #tpu.memory_space<hbm>> -> memref<512x64xf32, #tpu.memory_space<hbm>>
      tpu.wait_dma2 semaphore(%run_scoped3A : memref<!tpu.dma_semaphore, #tpu.memory_space<semaphore_mem>>) src(%arg11 : memref<512x64xf32, #tpu.memory_space<vmem>>) dst(%dma_wait3A_222 : memref<512x64xf32, #tpu.memory_space<hbm>>)
      tpu.yield
    }) : () -> ()
    %add3A_25 = arith.constant 512 : i32
    %add3A_26 = arith.addi %mul3A_14, %add3A_25 : i32
    %add3A_27 = arith.constant 512 : i32
    %add3A_28 = arith.addi %mul3A_14, %add3A_27 : i32
    "tpu.region"() ({
      %run_scoped3A = tpu.sem_alloc : memref<!tpu.dma_semaphore, #tpu.memory_space<semaphore_mem>>
      %dma_start3A_215 = tpu.memref_slice %arg4[%add3A_26] : memref<327680xi32, #tpu.memory_space<hbm>> -> memref<512xi32, #tpu.memory_space<hbm>>
      %dma_start3A_216 = tpu.memref_slice %arg4[%add3A_26] : memref<327680xi32, #tpu.memory_space<hbm>> -> memref<512xi32, #tpu.memory_space<hbm>>
      tpu.enqueue_dma source(%dma_start3A_216 : memref<512xi32, #tpu.memory_space<hbm>>) target(%arg10 : memref<512xi32, #tpu.memory_space<vmem>>) target_semaphore(%run_scoped3A : memref<!tpu.dma_semaphore, #tpu.memory_space<semaphore_mem>>)
      %dma_wait3A_217 = tpu.memref_slice %arg4[%add3A_26] : memref<327680xi32, #tpu.memory_space<hbm>> -> memref<512xi32, #tpu.memory_space<hbm>>
      %dma_wait3A_218 = tpu.memref_slice %arg4[%add3A_26] : memref<327680xi32, #tpu.memory_space<hbm>> -> memref<512xi32, #tpu.memory_space<hbm>>
      tpu.wait_dma2 semaphore(%run_scoped3A : memref<!tpu.dma_semaphore, #tpu.memory_space<semaphore_mem>>) src(%dma_wait3A_218 : memref<512xi32, #tpu.memory_space<hbm>>) dst(%arg10 : memref<512xi32, #tpu.memory_space<vmem>>)
      tpu.yield
    }) : () -> ()
    %dma_start3A_29 = arith.constant 0 : i32
    %dma_start3A_30 = arith.constant 0 : i32
    %dma_start3A_31 = tpu.memref_slice %arg6[%dma_start3A_29, %dma_start3A_30] : memref<1000000x64xf32, #tpu.memory_space<hbm>> -> memref<1000000x64xf32, #tpu.memory_space<hbm>>
    tpu.enqueue_indirect_dma source(%dma_start3A_31 : memref<1000000x64xf32, #tpu.memory_space<hbm>>) target(%arg11 : memref<512x64xf32, #tpu.memory_space<vmem>>) offsets(%arg10 : memref<512xi32, #tpu.memory_space<vmem>>) semaphore(%arg12 : memref<!tpu.dma_semaphore, #tpu.memory_space<semaphore_mem>>)
    %dma_wait3A_32 = arith.constant 0 : i32
    %dma_wait3A_33 = arith.constant 0 : i32
    %dma_wait3A_34 = tpu.memref_slice %arg6[%dma_wait3A_32, %dma_wait3A_33] : memref<1000000x64xf32, #tpu.memory_space<hbm>> -> memref<1000000x64xf32, #tpu.memory_space<hbm>>
    tpu.wait_indirect_dma semaphore(%arg12 : memref<!tpu.dma_semaphore, #tpu.memory_space<semaphore_mem>>) src(%dma_wait3A_34 : memref<1000000x64xf32, #tpu.memory_space<hbm>>) dst(%arg11 : memref<512x64xf32, #tpu.memory_space<vmem>>)
    "tpu.region"() ({
      %run_scoped3A = tpu.sem_alloc : memref<!tpu.dma_semaphore, #tpu.memory_space<semaphore_mem>>
      %dma_start3A_215 = arith.constant 0 : i32
      %dma_start3A_216 = tpu.memref_slice %arg9[%add3A_28, %dma_start3A_215] : memref<327680x64xf32, #tpu.memory_space<hbm>> -> memref<512x64xf32, #tpu.memory_space<hbm>>
      %dma_start3A_217 = arith.constant 0 : i32
      %dma_start3A_218 = tpu.memref_slice %arg9[%add3A_28, %dma_start3A_217] : memref<327680x64xf32, #tpu.memory_space<hbm>> -> memref<512x64xf32, #tpu.memory_space<hbm>>
      tpu.enqueue_dma source(%arg11 : memref<512x64xf32, #tpu.memory_space<vmem>>) target(%dma_start3A_218 : memref<512x64xf32, #tpu.memory_space<hbm>>) target_semaphore(%run_scoped3A : memref<!tpu.dma_semaphore, #tpu.memory_space<semaphore_mem>>)
      %dma_wait3A_219 = arith.constant 0 : i32
      %dma_wait3A_220 = tpu.memref_slice %arg9[%add3A_28, %dma_wait3A_219] : memref<327680x64xf32, #tpu.memory_space<hbm>> -> memref<512x64xf32, #tpu.memory_space<hbm>>
      %dma_wait3A_221 = arith.constant 0 : i32
      %dma_wait3A_222 = tpu.memref_slice %arg9[%add3A_28, %dma_wait3A_221] : memref<327680x64xf32, #tpu.memory_space<hbm>> -> memref<512x64xf32, #tpu.memory_space<hbm>>
      tpu.wait_dma2 semaphore(%run_scoped3A : memref<!tpu.dma_semaphore, #tpu.memory_space<semaphore_mem>>) src(%arg11 : memref<512x64xf32, #tpu.memory_space<vmem>>) dst(%dma_wait3A_222 : memref<512x64xf32, #tpu.memory_space<hbm>>)
      tpu.yield
    }) : () -> ()
    %add3A_35 = arith.constant 1024 : i32
    %add3A_36 = arith.addi %mul3A_14, %add3A_35 : i32
    %add3A_37 = arith.constant 1024 : i32
    %add3A_38 = arith.addi %mul3A_14, %add3A_37 : i32
    "tpu.region"() ({
      %run_scoped3A = tpu.sem_alloc : memref<!tpu.dma_semaphore, #tpu.memory_space<semaphore_mem>>
      %dma_start3A_215 = tpu.memref_slice %arg4[%add3A_36] : memref<327680xi32, #tpu.memory_space<hbm>> -> memref<512xi32, #tpu.memory_space<hbm>>
      %dma_start3A_216 = tpu.memref_slice %arg4[%add3A_36] : memref<327680xi32, #tpu.memory_space<hbm>> -> memref<512xi32, #tpu.memory_space<hbm>>
      tpu.enqueue_dma source(%dma_start3A_216 : memref<512xi32, #tpu.memory_space<hbm>>) target(%arg10 : memref<512xi32, #tpu.memory_space<vmem>>) target_semaphore(%run_scoped3A : memref<!tpu.dma_semaphore, #tpu.memory_space<semaphore_mem>>)
      %dma_wait3A_217 = tpu.memref_slice %arg4[%add3A_36] : memref<327680xi32, #tpu.memory_space<hbm>> -> memref<512xi32, #tpu.memory_space<hbm>>
      %dma_wait3A_218 = tpu.memref_slice %arg4[%add3A_36] : memref<327680xi32, #tpu.memory_space<hbm>> -> memref<512xi32, #tpu.memory_space<hbm>>
      tpu.wait_dma2 semaphore(%run_scoped3A : memref<!tpu.dma_semaphore, #tpu.memory_space<semaphore_mem>>) src(%dma_wait3A_218 : memref<512xi32, #tpu.memory_space<hbm>>) dst(%arg10 : memref<512xi32, #tpu.memory_space<vmem>>)
      tpu.yield
    }) : () -> ()
    %dma_start3A_39 = arith.constant 0 : i32
    %dma_start3A_40 = arith.constant 0 : i32
    %dma_start3A_41 = tpu.memref_slice %arg6[%dma_start3A_39, %dma_start3A_40] : memref<1000000x64xf32, #tpu.memory_space<hbm>> -> memref<1000000x64xf32, #tpu.memory_space<hbm>>
    tpu.enqueue_indirect_dma source(%dma_start3A_41 : memref<1000000x64xf32, #tpu.memory_space<hbm>>) target(%arg11 : memref<512x64xf32, #tpu.memory_space<vmem>>) offsets(%arg10 : memref<512xi32, #tpu.memory_space<vmem>>) semaphore(%arg12 : memref<!tpu.dma_semaphore, #tpu.memory_space<semaphore_mem>>)
    %dma_wait3A_42 = arith.constant 0 : i32
    %dma_wait3A_43 = arith.constant 0 : i32
    %dma_wait3A_44 = tpu.memref_slice %arg6[%dma_wait3A_42, %dma_wait3A_43] : memref<1000000x64xf32, #tpu.memory_space<hbm>> -> memref<1000000x64xf32, #tpu.memory_space<hbm>>
    tpu.wait_indirect_dma semaphore(%arg12 : memref<!tpu.dma_semaphore, #tpu.memory_space<semaphore_mem>>) src(%dma_wait3A_44 : memref<1000000x64xf32, #tpu.memory_space<hbm>>) dst(%arg11 : memref<512x64xf32, #tpu.memory_space<vmem>>)
    "tpu.region"() ({
      %run_scoped3A = tpu.sem_alloc : memref<!tpu.dma_semaphore, #tpu.memory_space<semaphore_mem>>
      %dma_start3A_215 = arith.constant 0 : i32
      %dma_start3A_216 = tpu.memref_slice %arg9[%add3A_38, %dma_start3A_215] : memref<327680x64xf32, #tpu.memory_space<hbm>> -> memref<512x64xf32, #tpu.memory_space<hbm>>
      %dma_start3A_217 = arith.constant 0 : i32
      %dma_start3A_218 = tpu.memref_slice %arg9[%add3A_38, %dma_start3A_217] : memref<327680x64xf32, #tpu.memory_space<hbm>> -> memref<512x64xf32, #tpu.memory_space<hbm>>
      tpu.enqueue_dma source(%arg11 : memref<512x64xf32, #tpu.memory_space<vmem>>) target(%dma_start3A_218 : memref<512x64xf32, #tpu.memory_space<hbm>>) target_semaphore(%run_scoped3A : memref<!tpu.dma_semaphore, #tpu.memory_space<semaphore_mem>>)
      %dma_wait3A_219 = arith.constant 0 : i32
      %dma_wait3A_220 = tpu.memref_slice %arg9[%add3A_38, %dma_wait3A_219] : memref<327680x64xf32, #tpu.memory_space<hbm>> -> memref<512x64xf32, #tpu.memory_space<hbm>>
      %dma_wait3A_221 = arith.constant 0 : i32
      %dma_wait3A_222 = tpu.memref_slice %arg9[%add3A_38, %dma_wait3A_221] : memref<327680x64xf32, #tpu.memory_space<hbm>> -> memref<512x64xf32, #tpu.memory_space<hbm>>
      tpu.wait_dma2 semaphore(%run_scoped3A : memref<!tpu.dma_semaphore, #tpu.memory_space<semaphore_mem>>) src(%arg11 : memref<512x64xf32, #tpu.memory_space<vmem>>) dst(%dma_wait3A_222 : memref<512x64xf32, #tpu.memory_space<hbm>>)
      tpu.yield
    }) : () -> ()
    %add3A_45 = arith.constant 1536 : i32
    %add3A_46 = arith.addi %mul3A_14, %add3A_45 : i32
    %add3A_47 = arith.constant 1536 : i32
    %add3A_48 = arith.addi %mul3A_14, %add3A_47 : i32
    "tpu.region"() ({
      %run_scoped3A = tpu.sem_alloc : memref<!tpu.dma_semaphore, #tpu.memory_space<semaphore_mem>>
      %dma_start3A_215 = tpu.memref_slice %arg4[%add3A_46] : memref<327680xi32, #tpu.memory_space<hbm>> -> memref<512xi32, #tpu.memory_space<hbm>>
      %dma_start3A_216 = tpu.memref_slice %arg4[%add3A_46] : memref<327680xi32, #tpu.memory_space<hbm>> -> memref<512xi32, #tpu.memory_space<hbm>>
      tpu.enqueue_dma source(%dma_start3A_216 : memref<512xi32, #tpu.memory_space<hbm>>) target(%arg10 : memref<512xi32, #tpu.memory_space<vmem>>) target_semaphore(%run_scoped3A : memref<!tpu.dma_semaphore, #tpu.memory_space<semaphore_mem>>)
      %dma_wait3A_217 = tpu.memref_slice %arg4[%add3A_46] : memref<327680xi32, #tpu.memory_space<hbm>> -> memref<512xi32, #tpu.memory_space<hbm>>
      %dma_wait3A_218 = tpu.memref_slice %arg4[%add3A_46] : memref<327680xi32, #tpu.memory_space<hbm>> -> memref<512xi32, #tpu.memory_space<hbm>>
      tpu.wait_dma2 semaphore(%run_scoped3A : memref<!tpu.dma_semaphore, #tpu.memory_space<semaphore_mem>>) src(%dma_wait3A_218 : memref<512xi32, #tpu.memory_space<hbm>>) dst(%arg10 : memref<512xi32, #tpu.memory_space<vmem>>)
      tpu.yield
    }) : () -> ()
    %dma_start3A_49 = arith.constant 0 : i32
    %dma_start3A_50 = arith.constant 0 : i32
    %dma_start3A_51 = tpu.memref_slice %arg6[%dma_start3A_49, %dma_start3A_50] : memref<1000000x64xf32, #tpu.memory_space<hbm>> -> memref<1000000x64xf32, #tpu.memory_space<hbm>>
    tpu.enqueue_indirect_dma source(%dma_start3A_51 : memref<1000000x64xf32, #tpu.memory_space<hbm>>) target(%arg11 : memref<512x64xf32, #tpu.memory_space<vmem>>) offsets(%arg10 : memref<512xi32, #tpu.memory_space<vmem>>) semaphore(%arg12 : memref<!tpu.dma_semaphore, #tpu.memory_space<semaphore_mem>>)
    %dma_wait3A_52 = arith.constant 0 : i32
    %dma_wait3A_53 = arith.constant 0 : i32
    %dma_wait3A_54 = tpu.memref_slice %arg6[%dma_wait3A_52, %dma_wait3A_53] : memref<1000000x64xf32, #tpu.memory_space<hbm>> -> memref<1000000x64xf32, #tpu.memory_space<hbm>>
    tpu.wait_indirect_dma semaphore(%arg12 : memref<!tpu.dma_semaphore, #tpu.memory_space<semaphore_mem>>) src(%dma_wait3A_54 : memref<1000000x64xf32, #tpu.memory_space<hbm>>) dst(%arg11 : memref<512x64xf32, #tpu.memory_space<vmem>>)
    "tpu.region"() ({
      %run_scoped3A = tpu.sem_alloc : memref<!tpu.dma_semaphore, #tpu.memory_space<semaphore_mem>>
      %dma_start3A_215 = arith.constant 0 : i32
      %dma_start3A_216 = tpu.memref_slice %arg9[%add3A_48, %dma_start3A_215] : memref<327680x64xf32, #tpu.memory_space<hbm>> -> memref<512x64xf32, #tpu.memory_space<hbm>>
      %dma_start3A_217 = arith.constant 0 : i32
      %dma_start3A_218 = tpu.memref_slice %arg9[%add3A_48, %dma_start3A_217] : memref<327680x64xf32, #tpu.memory_space<hbm>> -> memref<512x64xf32, #tpu.memory_space<hbm>>
      tpu.enqueue_dma source(%arg11 : memref<512x64xf32, #tpu.memory_space<vmem>>) target(%dma_start3A_218 : memref<512x64xf32, #tpu.memory_space<hbm>>) target_semaphore(%run_scoped3A : memref<!tpu.dma_semaphore, #tpu.memory_space<semaphore_mem>>)
      %dma_wait3A_219 = arith.constant 0 : i32
      %dma_wait3A_220 = tpu.memref_slice %arg9[%add3A_48, %dma_wait3A_219] : memref<327680x64xf32, #tpu.memory_space<hbm>> -> memref<512x64xf32, #tpu.memory_space<hbm>>
      %dma_wait3A_221 = arith.constant 0 : i32
      %dma_wait3A_222 = tpu.memref_slice %arg9[%add3A_48, %dma_wait3A_221] : memref<327680x64xf32, #tpu.memory_space<hbm>> -> memref<512x64xf32, #tpu.memory_space<hbm>>
      tpu.wait_dma2 semaphore(%run_scoped3A : memref<!tpu.dma_semaphore, #tpu.memory_space<semaphore_mem>>) src(%arg11 : memref<512x64xf32, #tpu.memory_space<vmem>>) dst(%dma_wait3A_222 : memref<512x64xf32, #tpu.memory_space<hbm>>)
      tpu.yield
    }) : () -> ()
    %add3A_55 = arith.constant 2048 : i32
    %add3A_56 = arith.addi %mul3A_14, %add3A_55 : i32
    %add3A_57 = arith.constant 2048 : i32
    %add3A_58 = arith.addi %mul3A_14, %add3A_57 : i32
    "tpu.region"() ({
      %run_scoped3A = tpu.sem_alloc : memref<!tpu.dma_semaphore, #tpu.memory_space<semaphore_mem>>
      %dma_start3A_215 = tpu.memref_slice %arg4[%add3A_56] : memref<327680xi32, #tpu.memory_space<hbm>> -> memref<512xi32, #tpu.memory_space<hbm>>
      %dma_start3A_216 = tpu.memref_slice %arg4[%add3A_56] : memref<327680xi32, #tpu.memory_space<hbm>> -> memref<512xi32, #tpu.memory_space<hbm>>
      tpu.enqueue_dma source(%dma_start3A_216 : memref<512xi32, #tpu.memory_space<hbm>>) target(%arg10 : memref<512xi32, #tpu.memory_space<vmem>>) target_semaphore(%run_scoped3A : memref<!tpu.dma_semaphore, #tpu.memory_space<semaphore_mem>>)
      %dma_wait3A_217 = tpu.memref_slice %arg4[%add3A_56] : memref<327680xi32, #tpu.memory_space<hbm>> -> memref<512xi32, #tpu.memory_space<hbm>>
      %dma_wait3A_218 = tpu.memref_slice %arg4[%add3A_56] : memref<327680xi32, #tpu.memory_space<hbm>> -> memref<512xi32, #tpu.memory_space<hbm>>
      tpu.wait_dma2 semaphore(%run_scoped3A : memref<!tpu.dma_semaphore, #tpu.memory_space<semaphore_mem>>) src(%dma_wait3A_218 : memref<512xi32, #tpu.memory_space<hbm>>) dst(%arg10 : memref<512xi32, #tpu.memory_space<vmem>>)
      tpu.yield
    }) : () -> ()
    %dma_start3A_59 = arith.constant 0 : i32
    %dma_start3A_60 = arith.constant 0 : i32
    %dma_start3A_61 = tpu.memref_slice %arg6[%dma_start3A_59, %dma_start3A_60] : memref<1000000x64xf32, #tpu.memory_space<hbm>> -> memref<1000000x64xf32, #tpu.memory_space<hbm>>
    tpu.enqueue_indirect_dma source(%dma_start3A_61 : memref<1000000x64xf32, #tpu.memory_space<hbm>>) target(%arg11 : memref<512x64xf32, #tpu.memory_space<vmem>>) offsets(%arg10 : memref<512xi32, #tpu.memory_space<vmem>>) semaphore(%arg12 : memref<!tpu.dma_semaphore, #tpu.memory_space<semaphore_mem>>)
    %dma_wait3A_62 = arith.constant 0 : i32
    %dma_wait3A_63 = arith.constant 0 : i32
    %dma_wait3A_64 = tpu.memref_slice %arg6[%dma_wait3A_62, %dma_wait3A_63] : memref<1000000x64xf32, #tpu.memory_space<hbm>> -> memref<1000000x64xf32, #tpu.memory_space<hbm>>
    tpu.wait_indirect_dma semaphore(%arg12 : memref<!tpu.dma_semaphore, #tpu.memory_space<semaphore_mem>>) src(%dma_wait3A_64 : memref<1000000x64xf32, #tpu.memory_space<hbm>>) dst(%arg11 : memref<512x64xf32, #tpu.memory_space<vmem>>)
    "tpu.region"() ({
      %run_scoped3A = tpu.sem_alloc : memref<!tpu.dma_semaphore, #tpu.memory_space<semaphore_mem>>
      %dma_start3A_215 = arith.constant 0 : i32
      %dma_start3A_216 = tpu.memref_slice %arg9[%add3A_58, %dma_start3A_215] : memref<327680x64xf32, #tpu.memory_space<hbm>> -> memref<512x64xf32, #tpu.memory_space<hbm>>
      %dma_start3A_217 = arith.constant 0 : i32
      %dma_start3A_218 = tpu.memref_slice %arg9[%add3A_58, %dma_start3A_217] : memref<327680x64xf32, #tpu.memory_space<hbm>> -> memref<512x64xf32, #tpu.memory_space<hbm>>
      tpu.enqueue_dma source(%arg11 : memref<512x64xf32, #tpu.memory_space<vmem>>) target(%dma_start3A_218 : memref<512x64xf32, #tpu.memory_space<hbm>>) target_semaphore(%run_scoped3A : memref<!tpu.dma_semaphore, #tpu.memory_space<semaphore_mem>>)
      %dma_wait3A_219 = arith.constant 0 : i32
      %dma_wait3A_220 = tpu.memref_slice %arg9[%add3A_58, %dma_wait3A_219] : memref<327680x64xf32, #tpu.memory_space<hbm>> -> memref<512x64xf32, #tpu.memory_space<hbm>>
      %dma_wait3A_221 = arith.constant 0 : i32
      %dma_wait3A_222 = tpu.memref_slice %arg9[%add3A_58, %dma_wait3A_221] : memref<327680x64xf32, #tpu.memory_space<hbm>> -> memref<512x64xf32, #tpu.memory_space<hbm>>
      tpu.wait_dma2 semaphore(%run_scoped3A : memref<!tpu.dma_semaphore, #tpu.memory_space<semaphore_mem>>) src(%arg11 : memref<512x64xf32, #tpu.memory_space<vmem>>) dst(%dma_wait3A_222 : memref<512x64xf32, #tpu.memory_space<hbm>>)
      tpu.yield
    }) : () -> ()
    %add3A_65 = arith.constant 2560 : i32
    %add3A_66 = arith.addi %mul3A_14, %add3A_65 : i32
    %add3A_67 = arith.constant 2560 : i32
    %add3A_68 = arith.addi %mul3A_14, %add3A_67 : i32
    "tpu.region"() ({
      %run_scoped3A = tpu.sem_alloc : memref<!tpu.dma_semaphore, #tpu.memory_space<semaphore_mem>>
      %dma_start3A_215 = tpu.memref_slice %arg4[%add3A_66] : memref<327680xi32, #tpu.memory_space<hbm>> -> memref<512xi32, #tpu.memory_space<hbm>>
      %dma_start3A_216 = tpu.memref_slice %arg4[%add3A_66] : memref<327680xi32, #tpu.memory_space<hbm>> -> memref<512xi32, #tpu.memory_space<hbm>>
      tpu.enqueue_dma source(%dma_start3A_216 : memref<512xi32, #tpu.memory_space<hbm>>) target(%arg10 : memref<512xi32, #tpu.memory_space<vmem>>) target_semaphore(%run_scoped3A : memref<!tpu.dma_semaphore, #tpu.memory_space<semaphore_mem>>)
      %dma_wait3A_217 = tpu.memref_slice %arg4[%add3A_66] : memref<327680xi32, #tpu.memory_space<hbm>> -> memref<512xi32, #tpu.memory_space<hbm>>
      %dma_wait3A_218 = tpu.memref_slice %arg4[%add3A_66] : memref<327680xi32, #tpu.memory_space<hbm>> -> memref<512xi32, #tpu.memory_space<hbm>>
      tpu.wait_dma2 semaphore(%run_scoped3A : memref<!tpu.dma_semaphore, #tpu.memory_space<semaphore_mem>>) src(%dma_wait3A_218 : memref<512xi32, #tpu.memory_space<hbm>>) dst(%arg10 : memref<512xi32, #tpu.memory_space<vmem>>)
      tpu.yield
    }) : () -> ()
    %dma_start3A_69 = arith.constant 0 : i32
    %dma_start3A_70 = arith.constant 0 : i32
    %dma_start3A_71 = tpu.memref_slice %arg6[%dma_start3A_69, %dma_start3A_70] : memref<1000000x64xf32, #tpu.memory_space<hbm>> -> memref<1000000x64xf32, #tpu.memory_space<hbm>>
    tpu.enqueue_indirect_dma source(%dma_start3A_71 : memref<1000000x64xf32, #tpu.memory_space<hbm>>) target(%arg11 : memref<512x64xf32, #tpu.memory_space<vmem>>) offsets(%arg10 : memref<512xi32, #tpu.memory_space<vmem>>) semaphore(%arg12 : memref<!tpu.dma_semaphore, #tpu.memory_space<semaphore_mem>>)
    %dma_wait3A_72 = arith.constant 0 : i32
    %dma_wait3A_73 = arith.constant 0 : i32
    %dma_wait3A_74 = tpu.memref_slice %arg6[%dma_wait3A_72, %dma_wait3A_73] : memref<1000000x64xf32, #tpu.memory_space<hbm>> -> memref<1000000x64xf32, #tpu.memory_space<hbm>>
    tpu.wait_indirect_dma semaphore(%arg12 : memref<!tpu.dma_semaphore, #tpu.memory_space<semaphore_mem>>) src(%dma_wait3A_74 : memref<1000000x64xf32, #tpu.memory_space<hbm>>) dst(%arg11 : memref<512x64xf32, #tpu.memory_space<vmem>>)
    "tpu.region"() ({
      %run_scoped3A = tpu.sem_alloc : memref<!tpu.dma_semaphore, #tpu.memory_space<semaphore_mem>>
      %dma_start3A_215 = arith.constant 0 : i32
      %dma_start3A_216 = tpu.memref_slice %arg9[%add3A_68, %dma_start3A_215] : memref<327680x64xf32, #tpu.memory_space<hbm>> -> memref<512x64xf32, #tpu.memory_space<hbm>>
      %dma_start3A_217 = arith.constant 0 : i32
      %dma_start3A_218 = tpu.memref_slice %arg9[%add3A_68, %dma_start3A_217] : memref<327680x64xf32, #tpu.memory_space<hbm>> -> memref<512x64xf32, #tpu.memory_space<hbm>>
      tpu.enqueue_dma source(%arg11 : memref<512x64xf32, #tpu.memory_space<vmem>>) target(%dma_start3A_218 : memref<512x64xf32, #tpu.memory_space<hbm>>) target_semaphore(%run_scoped3A : memref<!tpu.dma_semaphore, #tpu.memory_space<semaphore_mem>>)
      %dma_wait3A_219 = arith.constant 0 : i32
      %dma_wait3A_220 = tpu.memref_slice %arg9[%add3A_68, %dma_wait3A_219] : memref<327680x64xf32, #tpu.memory_space<hbm>> -> memref<512x64xf32, #tpu.memory_space<hbm>>
      %dma_wait3A_221 = arith.constant 0 : i32
      %dma_wait3A_222 = tpu.memref_slice %arg9[%add3A_68, %dma_wait3A_221] : memref<327680x64xf32, #tpu.memory_space<hbm>> -> memref<512x64xf32, #tpu.memory_space<hbm>>
      tpu.wait_dma2 semaphore(%run_scoped3A : memref<!tpu.dma_semaphore, #tpu.memory_space<semaphore_mem>>) src(%arg11 : memref<512x64xf32, #tpu.memory_space<vmem>>) dst(%dma_wait3A_222 : memref<512x64xf32, #tpu.memory_space<hbm>>)
      tpu.yield
    }) : () -> ()
    %add3A_75 = arith.constant 3072 : i32
    %add3A_76 = arith.addi %mul3A_14, %add3A_75 : i32
    %add3A_77 = arith.constant 3072 : i32
    %add3A_78 = arith.addi %mul3A_14, %add3A_77 : i32
    "tpu.region"() ({
      %run_scoped3A = tpu.sem_alloc : memref<!tpu.dma_semaphore, #tpu.memory_space<semaphore_mem>>
      %dma_start3A_215 = tpu.memref_slice %arg4[%add3A_76] : memref<327680xi32, #tpu.memory_space<hbm>> -> memref<512xi32, #tpu.memory_space<hbm>>
      %dma_start3A_216 = tpu.memref_slice %arg4[%add3A_76] : memref<327680xi32, #tpu.memory_space<hbm>> -> memref<512xi32, #tpu.memory_space<hbm>>
      tpu.enqueue_dma source(%dma_start3A_216 : memref<512xi32, #tpu.memory_space<hbm>>) target(%arg10 : memref<512xi32, #tpu.memory_space<vmem>>) target_semaphore(%run_scoped3A : memref<!tpu.dma_semaphore, #tpu.memory_space<semaphore_mem>>)
      %dma_wait3A_217 = tpu.memref_slice %arg4[%add3A_76] : memref<327680xi32, #tpu.memory_space<hbm>> -> memref<512xi32, #tpu.memory_space<hbm>>
      %dma_wait3A_218 = tpu.memref_slice %arg4[%add3A_76] : memref<327680xi32, #tpu.memory_space<hbm>> -> memref<512xi32, #tpu.memory_space<hbm>>
      tpu.wait_dma2 semaphore(%run_scoped3A : memref<!tpu.dma_semaphore, #tpu.memory_space<semaphore_mem>>) src(%dma_wait3A_218 : memref<512xi32, #tpu.memory_space<hbm>>) dst(%arg10 : memref<512xi32, #tpu.memory_space<vmem>>)
      tpu.yield
    }) : () -> ()
    %dma_start3A_79 = arith.constant 0 : i32
    %dma_start3A_80 = arith.constant 0 : i32
    %dma_start3A_81 = tpu.memref_slice %arg6[%dma_start3A_79, %dma_start3A_80] : memref<1000000x64xf32, #tpu.memory_space<hbm>> -> memref<1000000x64xf32, #tpu.memory_space<hbm>>
    tpu.enqueue_indirect_dma source(%dma_start3A_81 : memref<1000000x64xf32, #tpu.memory_space<hbm>>) target(%arg11 : memref<512x64xf32, #tpu.memory_space<vmem>>) offsets(%arg10 : memref<512xi32, #tpu.memory_space<vmem>>) semaphore(%arg12 : memref<!tpu.dma_semaphore, #tpu.memory_space<semaphore_mem>>)
    %dma_wait3A_82 = arith.constant 0 : i32
    %dma_wait3A_83 = arith.constant 0 : i32
    %dma_wait3A_84 = tpu.memref_slice %arg6[%dma_wait3A_82, %dma_wait3A_83] : memref<1000000x64xf32, #tpu.memory_space<hbm>> -> memref<1000000x64xf32, #tpu.memory_space<hbm>>
    tpu.wait_indirect_dma semaphore(%arg12 : memref<!tpu.dma_semaphore, #tpu.memory_space<semaphore_mem>>) src(%dma_wait3A_84 : memref<1000000x64xf32, #tpu.memory_space<hbm>>) dst(%arg11 : memref<512x64xf32, #tpu.memory_space<vmem>>)
    "tpu.region"() ({
      %run_scoped3A = tpu.sem_alloc : memref<!tpu.dma_semaphore, #tpu.memory_space<semaphore_mem>>
      %dma_start3A_215 = arith.constant 0 : i32
      %dma_start3A_216 = tpu.memref_slice %arg9[%add3A_78, %dma_start3A_215] : memref<327680x64xf32, #tpu.memory_space<hbm>> -> memref<512x64xf32, #tpu.memory_space<hbm>>
      %dma_start3A_217 = arith.constant 0 : i32
      %dma_start3A_218 = tpu.memref_slice %arg9[%add3A_78, %dma_start3A_217] : memref<327680x64xf32, #tpu.memory_space<hbm>> -> memref<512x64xf32, #tpu.memory_space<hbm>>
      tpu.enqueue_dma source(%arg11 : memref<512x64xf32, #tpu.memory_space<vmem>>) target(%dma_start3A_218 : memref<512x64xf32, #tpu.memory_space<hbm>>) target_semaphore(%run_scoped3A : memref<!tpu.dma_semaphore, #tpu.memory_space<semaphore_mem>>)
      %dma_wait3A_219 = arith.constant 0 : i32
      %dma_wait3A_220 = tpu.memref_slice %arg9[%add3A_78, %dma_wait3A_219] : memref<327680x64xf32, #tpu.memory_space<hbm>> -> memref<512x64xf32, #tpu.memory_space<hbm>>
      %dma_wait3A_221 = arith.constant 0 : i32
      %dma_wait3A_222 = tpu.memref_slice %arg9[%add3A_78, %dma_wait3A_221] : memref<327680x64xf32, #tpu.memory_space<hbm>> -> memref<512x64xf32, #tpu.memory_space<hbm>>
      tpu.wait_dma2 semaphore(%run_scoped3A : memref<!tpu.dma_semaphore, #tpu.memory_space<semaphore_mem>>) src(%arg11 : memref<512x64xf32, #tpu.memory_space<vmem>>) dst(%dma_wait3A_222 : memref<512x64xf32, #tpu.memory_space<hbm>>)
      tpu.yield
    }) : () -> ()
    %add3A_85 = arith.constant 3584 : i32
    %add3A_86 = arith.addi %mul3A_14, %add3A_85 : i32
    %add3A_87 = arith.constant 3584 : i32
    %add3A_88 = arith.addi %mul3A_14, %add3A_87 : i32
    "tpu.region"() ({
      %run_scoped3A = tpu.sem_alloc : memref<!tpu.dma_semaphore, #tpu.memory_space<semaphore_mem>>
      %dma_start3A_215 = tpu.memref_slice %arg4[%add3A_86] : memref<327680xi32, #tpu.memory_space<hbm>> -> memref<512xi32, #tpu.memory_space<hbm>>
      %dma_start3A_216 = tpu.memref_slice %arg4[%add3A_86] : memref<327680xi32, #tpu.memory_space<hbm>> -> memref<512xi32, #tpu.memory_space<hbm>>
      tpu.enqueue_dma source(%dma_start3A_216 : memref<512xi32, #tpu.memory_space<hbm>>) target(%arg10 : memref<512xi32, #tpu.memory_space<vmem>>) target_semaphore(%run_scoped3A : memref<!tpu.dma_semaphore, #tpu.memory_space<semaphore_mem>>)
      %dma_wait3A_217 = tpu.memref_slice %arg4[%add3A_86] : memref<327680xi32, #tpu.memory_space<hbm>> -> memref<512xi32, #tpu.memory_space<hbm>>
      %dma_wait3A_218 = tpu.memref_slice %arg4[%add3A_86] : memref<327680xi32, #tpu.memory_space<hbm>> -> memref<512xi32, #tpu.memory_space<hbm>>
      tpu.wait_dma2 semaphore(%run_scoped3A : memref<!tpu.dma_semaphore, #tpu.memory_space<semaphore_mem>>) src(%dma_wait3A_218 : memref<512xi32, #tpu.memory_space<hbm>>) dst(%arg10 : memref<512xi32, #tpu.memory_space<vmem>>)
      tpu.yield
    }) : () -> ()
    %dma_start3A_89 = arith.constant 0 : i32
    %dma_start3A_90 = arith.constant 0 : i32
    %dma_start3A_91 = tpu.memref_slice %arg6[%dma_start3A_89, %dma_start3A_90] : memref<1000000x64xf32, #tpu.memory_space<hbm>> -> memref<1000000x64xf32, #tpu.memory_space<hbm>>
    tpu.enqueue_indirect_dma source(%dma_start3A_91 : memref<1000000x64xf32, #tpu.memory_space<hbm>>) target(%arg11 : memref<512x64xf32, #tpu.memory_space<vmem>>) offsets(%arg10 : memref<512xi32, #tpu.memory_space<vmem>>) semaphore(%arg12 : memref<!tpu.dma_semaphore, #tpu.memory_space<semaphore_mem>>)
    %dma_wait3A_92 = arith.constant 0 : i32
    %dma_wait3A_93 = arith.constant 0 : i32
    %dma_wait3A_94 = tpu.memref_slice %arg6[%dma_wait3A_92, %dma_wait3A_93] : memref<1000000x64xf32, #tpu.memory_space<hbm>> -> memref<1000000x64xf32, #tpu.memory_space<hbm>>
    tpu.wait_indirect_dma semaphore(%arg12 : memref<!tpu.dma_semaphore, #tpu.memory_space<semaphore_mem>>) src(%dma_wait3A_94 : memref<1000000x64xf32, #tpu.memory_space<hbm>>) dst(%arg11 : memref<512x64xf32, #tpu.memory_space<vmem>>)
    "tpu.region"() ({
      %run_scoped3A = tpu.sem_alloc : memref<!tpu.dma_semaphore, #tpu.memory_space<semaphore_mem>>
      %dma_start3A_215 = arith.constant 0 : i32
      %dma_start3A_216 = tpu.memref_slice %arg9[%add3A_88, %dma_start3A_215] : memref<327680x64xf32, #tpu.memory_space<hbm>> -> memref<512x64xf32, #tpu.memory_space<hbm>>
      %dma_start3A_217 = arith.constant 0 : i32
      %dma_start3A_218 = tpu.memref_slice %arg9[%add3A_88, %dma_start3A_217] : memref<327680x64xf32, #tpu.memory_space<hbm>> -> memref<512x64xf32, #tpu.memory_space<hbm>>
      tpu.enqueue_dma source(%arg11 : memref<512x64xf32, #tpu.memory_space<vmem>>) target(%dma_start3A_218 : memref<512x64xf32, #tpu.memory_space<hbm>>) target_semaphore(%run_scoped3A : memref<!tpu.dma_semaphore, #tpu.memory_space<semaphore_mem>>)
      %dma_wait3A_219 = arith.constant 0 : i32
      %dma_wait3A_220 = tpu.memref_slice %arg9[%add3A_88, %dma_wait3A_219] : memref<327680x64xf32, #tpu.memory_space<hbm>> -> memref<512x64xf32, #tpu.memory_space<hbm>>
      %dma_wait3A_221 = arith.constant 0 : i32
      %dma_wait3A_222 = tpu.memref_slice %arg9[%add3A_88, %dma_wait3A_221] : memref<327680x64xf32, #tpu.memory_space<hbm>> -> memref<512x64xf32, #tpu.memory_space<hbm>>
      tpu.wait_dma2 semaphore(%run_scoped3A : memref<!tpu.dma_semaphore, #tpu.memory_space<semaphore_mem>>) src(%arg11 : memref<512x64xf32, #tpu.memory_space<vmem>>) dst(%dma_wait3A_222 : memref<512x64xf32, #tpu.memory_space<hbm>>)
      tpu.yield
    }) : () -> ()
    %add3A_95 = arith.constant 4096 : i32
    %add3A_96 = arith.addi %mul3A_14, %add3A_95 : i32
    %add3A_97 = arith.constant 4096 : i32
    %add3A_98 = arith.addi %mul3A_14, %add3A_97 : i32
    "tpu.region"() ({
      %run_scoped3A = tpu.sem_alloc : memref<!tpu.dma_semaphore, #tpu.memory_space<semaphore_mem>>
      %dma_start3A_215 = tpu.memref_slice %arg4[%add3A_96] : memref<327680xi32, #tpu.memory_space<hbm>> -> memref<512xi32, #tpu.memory_space<hbm>>
      %dma_start3A_216 = tpu.memref_slice %arg4[%add3A_96] : memref<327680xi32, #tpu.memory_space<hbm>> -> memref<512xi32, #tpu.memory_space<hbm>>
      tpu.enqueue_dma source(%dma_start3A_216 : memref<512xi32, #tpu.memory_space<hbm>>) target(%arg10 : memref<512xi32, #tpu.memory_space<vmem>>) target_semaphore(%run_scoped3A : memref<!tpu.dma_semaphore, #tpu.memory_space<semaphore_mem>>)
      %dma_wait3A_217 = tpu.memref_slice %arg4[%add3A_96] : memref<327680xi32, #tpu.memory_space<hbm>> -> memref<512xi32, #tpu.memory_space<hbm>>
      %dma_wait3A_218 = tpu.memref_slice %arg4[%add3A_96] : memref<327680xi32, #tpu.memory_space<hbm>> -> memref<512xi32, #tpu.memory_space<hbm>>
      tpu.wait_dma2 semaphore(%run_scoped3A : memref<!tpu.dma_semaphore, #tpu.memory_space<semaphore_mem>>) src(%dma_wait3A_218 : memref<512xi32, #tpu.memory_space<hbm>>) dst(%arg10 : memref<512xi32, #tpu.memory_space<vmem>>)
      tpu.yield
    }) : () -> ()
    %dma_start3A_99 = arith.constant 0 : i32
    %dma_start3A_100 = arith.constant 0 : i32
    %dma_start3A_101 = tpu.memref_slice %arg6[%dma_start3A_99, %dma_start3A_100] : memref<1000000x64xf32, #tpu.memory_space<hbm>> -> memref<1000000x64xf32, #tpu.memory_space<hbm>>
    tpu.enqueue_indirect_dma source(%dma_start3A_101 : memref<1000000x64xf32, #tpu.memory_space<hbm>>) target(%arg11 : memref<512x64xf32, #tpu.memory_space<vmem>>) offsets(%arg10 : memref<512xi32, #tpu.memory_space<vmem>>) semaphore(%arg12 : memref<!tpu.dma_semaphore, #tpu.memory_space<semaphore_mem>>)
    %dma_wait3A_102 = arith.constant 0 : i32
    %dma_wait3A_103 = arith.constant 0 : i32
    %dma_wait3A_104 = tpu.memref_slice %arg6[%dma_wait3A_102, %dma_wait3A_103] : memref<1000000x64xf32, #tpu.memory_space<hbm>> -> memref<1000000x64xf32, #tpu.memory_space<hbm>>
    tpu.wait_indirect_dma semaphore(%arg12 : memref<!tpu.dma_semaphore, #tpu.memory_space<semaphore_mem>>) src(%dma_wait3A_104 : memref<1000000x64xf32, #tpu.memory_space<hbm>>) dst(%arg11 : memref<512x64xf32, #tpu.memory_space<vmem>>)
    "tpu.region"() ({
      %run_scoped3A = tpu.sem_alloc : memref<!tpu.dma_semaphore, #tpu.memory_space<semaphore_mem>>
      %dma_start3A_215 = arith.constant 0 : i32
      %dma_start3A_216 = tpu.memref_slice %arg9[%add3A_98, %dma_start3A_215] : memref<327680x64xf32, #tpu.memory_space<hbm>> -> memref<512x64xf32, #tpu.memory_space<hbm>>
      %dma_start3A_217 = arith.constant 0 : i32
      %dma_start3A_218 = tpu.memref_slice %arg9[%add3A_98, %dma_start3A_217] : memref<327680x64xf32, #tpu.memory_space<hbm>> -> memref<512x64xf32, #tpu.memory_space<hbm>>
      tpu.enqueue_dma source(%arg11 : memref<512x64xf32, #tpu.memory_space<vmem>>) target(%dma_start3A_218 : memref<512x64xf32, #tpu.memory_space<hbm>>) target_semaphore(%run_scoped3A : memref<!tpu.dma_semaphore, #tpu.memory_space<semaphore_mem>>)
      %dma_wait3A_219 = arith.constant 0 : i32
      %dma_wait3A_220 = tpu.memref_slice %arg9[%add3A_98, %dma_wait3A_219] : memref<327680x64xf32, #tpu.memory_space<hbm>> -> memref<512x64xf32, #tpu.memory_space<hbm>>
      %dma_wait3A_221 = arith.constant 0 : i32
      %dma_wait3A_222 = tpu.memref_slice %arg9[%add3A_98, %dma_wait3A_221] : memref<327680x64xf32, #tpu.memory_space<hbm>> -> memref<512x64xf32, #tpu.memory_space<hbm>>
      tpu.wait_dma2 semaphore(%run_scoped3A : memref<!tpu.dma_semaphore, #tpu.memory_space<semaphore_mem>>) src(%arg11 : memref<512x64xf32, #tpu.memory_space<vmem>>) dst(%dma_wait3A_222 : memref<512x64xf32, #tpu.memory_space<hbm>>)
      tpu.yield
    }) : () -> ()
    %add3A_105 = arith.constant 4608 : i32
    %add3A_106 = arith.addi %mul3A_14, %add3A_105 : i32
    %add3A_107 = arith.constant 4608 : i32
    %add3A_108 = arith.addi %mul3A_14, %add3A_107 : i32
    "tpu.region"() ({
      %run_scoped3A = tpu.sem_alloc : memref<!tpu.dma_semaphore, #tpu.memory_space<semaphore_mem>>
      %dma_start3A_215 = tpu.memref_slice %arg4[%add3A_106] : memref<327680xi32, #tpu.memory_space<hbm>> -> memref<512xi32, #tpu.memory_space<hbm>>
      %dma_start3A_216 = tpu.memref_slice %arg4[%add3A_106] : memref<327680xi32, #tpu.memory_space<hbm>> -> memref<512xi32, #tpu.memory_space<hbm>>
      tpu.enqueue_dma source(%dma_start3A_216 : memref<512xi32, #tpu.memory_space<hbm>>) target(%arg10 : memref<512xi32, #tpu.memory_space<vmem>>) target_semaphore(%run_scoped3A : memref<!tpu.dma_semaphore, #tpu.memory_space<semaphore_mem>>)
      %dma_wait3A_217 = tpu.memref_slice %arg4[%add3A_106] : memref<327680xi32, #tpu.memory_space<hbm>> -> memref<512xi32, #tpu.memory_space<hbm>>
      %dma_wait3A_218 = tpu.memref_slice %arg4[%add3A_106] : memref<327680xi32, #tpu.memory_space<hbm>> -> memref<512xi32, #tpu.memory_space<hbm>>
      tpu.wait_dma2 semaphore(%run_scoped3A : memref<!tpu.dma_semaphore, #tpu.memory_space<semaphore_mem>>) src(%dma_wait3A_218 : memref<512xi32, #tpu.memory_space<hbm>>) dst(%arg10 : memref<512xi32, #tpu.memory_space<vmem>>)
      tpu.yield
    }) : () -> ()
    %dma_start3A_109 = arith.constant 0 : i32
    %dma_start3A_110 = arith.constant 0 : i32
    %dma_start3A_111 = tpu.memref_slice %arg6[%dma_start3A_109, %dma_start3A_110] : memref<1000000x64xf32, #tpu.memory_space<hbm>> -> memref<1000000x64xf32, #tpu.memory_space<hbm>>
    tpu.enqueue_indirect_dma source(%dma_start3A_111 : memref<1000000x64xf32, #tpu.memory_space<hbm>>) target(%arg11 : memref<512x64xf32, #tpu.memory_space<vmem>>) offsets(%arg10 : memref<512xi32, #tpu.memory_space<vmem>>) semaphore(%arg12 : memref<!tpu.dma_semaphore, #tpu.memory_space<semaphore_mem>>)
    %dma_wait3A_112 = arith.constant 0 : i32
    %dma_wait3A_113 = arith.constant 0 : i32
    %dma_wait3A_114 = tpu.memref_slice %arg6[%dma_wait3A_112, %dma_wait3A_113] : memref<1000000x64xf32, #tpu.memory_space<hbm>> -> memref<1000000x64xf32, #tpu.memory_space<hbm>>
    tpu.wait_indirect_dma semaphore(%arg12 : memref<!tpu.dma_semaphore, #tpu.memory_space<semaphore_mem>>) src(%dma_wait3A_114 : memref<1000000x64xf32, #tpu.memory_space<hbm>>) dst(%arg11 : memref<512x64xf32, #tpu.memory_space<vmem>>)
    "tpu.region"() ({
      %run_scoped3A = tpu.sem_alloc : memref<!tpu.dma_semaphore, #tpu.memory_space<semaphore_mem>>
      %dma_start3A_215 = arith.constant 0 : i32
      %dma_start3A_216 = tpu.memref_slice %arg9[%add3A_108, %dma_start3A_215] : memref<327680x64xf32, #tpu.memory_space<hbm>> -> memref<512x64xf32, #tpu.memory_space<hbm>>
      %dma_start3A_217 = arith.constant 0 : i32
      %dma_start3A_218 = tpu.memref_slice %arg9[%add3A_108, %dma_start3A_217] : memref<327680x64xf32, #tpu.memory_space<hbm>> -> memref<512x64xf32, #tpu.memory_space<hbm>>
      tpu.enqueue_dma source(%arg11 : memref<512x64xf32, #tpu.memory_space<vmem>>) target(%dma_start3A_218 : memref<512x64xf32, #tpu.memory_space<hbm>>) target_semaphore(%run_scoped3A : memref<!tpu.dma_semaphore, #tpu.memory_space<semaphore_mem>>)
      %dma_wait3A_219 = arith.constant 0 : i32
      %dma_wait3A_220 = tpu.memref_slice %arg9[%add3A_108, %dma_wait3A_219] : memref<327680x64xf32, #tpu.memory_space<hbm>> -> memref<512x64xf32, #tpu.memory_space<hbm>>
      %dma_wait3A_221 = arith.constant 0 : i32
      %dma_wait3A_222 = tpu.memref_slice %arg9[%add3A_108, %dma_wait3A_221] : memref<327680x64xf32, #tpu.memory_space<hbm>> -> memref<512x64xf32, #tpu.memory_space<hbm>>
      tpu.wait_dma2 semaphore(%run_scoped3A : memref<!tpu.dma_semaphore, #tpu.memory_space<semaphore_mem>>) src(%arg11 : memref<512x64xf32, #tpu.memory_space<vmem>>) dst(%dma_wait3A_222 : memref<512x64xf32, #tpu.memory_space<hbm>>)
      tpu.yield
    }) : () -> ()
    %add3A_115 = arith.constant 5120 : i32
    %add3A_116 = arith.addi %mul3A_14, %add3A_115 : i32
    %add3A_117 = arith.constant 5120 : i32
    %add3A_118 = arith.addi %mul3A_14, %add3A_117 : i32
    "tpu.region"() ({
      %run_scoped3A = tpu.sem_alloc : memref<!tpu.dma_semaphore, #tpu.memory_space<semaphore_mem>>
      %dma_start3A_215 = tpu.memref_slice %arg4[%add3A_116] : memref<327680xi32, #tpu.memory_space<hbm>> -> memref<512xi32, #tpu.memory_space<hbm>>
      %dma_start3A_216 = tpu.memref_slice %arg4[%add3A_116] : memref<327680xi32, #tpu.memory_space<hbm>> -> memref<512xi32, #tpu.memory_space<hbm>>
      tpu.enqueue_dma source(%dma_start3A_216 : memref<512xi32, #tpu.memory_space<hbm>>) target(%arg10 : memref<512xi32, #tpu.memory_space<vmem>>) target_semaphore(%run_scoped3A : memref<!tpu.dma_semaphore, #tpu.memory_space<semaphore_mem>>)
      %dma_wait3A_217 = tpu.memref_slice %arg4[%add3A_116] : memref<327680xi32, #tpu.memory_space<hbm>> -> memref<512xi32, #tpu.memory_space<hbm>>
      %dma_wait3A_218 = tpu.memref_slice %arg4[%add3A_116] : memref<327680xi32, #tpu.memory_space<hbm>> -> memref<512xi32, #tpu.memory_space<hbm>>
      tpu.wait_dma2 semaphore(%run_scoped3A : memref<!tpu.dma_semaphore, #tpu.memory_space<semaphore_mem>>) src(%dma_wait3A_218 : memref<512xi32, #tpu.memory_space<hbm>>) dst(%arg10 : memref<512xi32, #tpu.memory_space<vmem>>)
      tpu.yield
    }) : () -> ()
    %dma_start3A_119 = arith.constant 0 : i32
    %dma_start3A_120 = arith.constant 0 : i32
    %dma_start3A_121 = tpu.memref_slice %arg6[%dma_start3A_119, %dma_start3A_120] : memref<1000000x64xf32, #tpu.memory_space<hbm>> -> memref<1000000x64xf32, #tpu.memory_space<hbm>>
    tpu.enqueue_indirect_dma source(%dma_start3A_121 : memref<1000000x64xf32, #tpu.memory_space<hbm>>) target(%arg11 : memref<512x64xf32, #tpu.memory_space<vmem>>) offsets(%arg10 : memref<512xi32, #tpu.memory_space<vmem>>) semaphore(%arg12 : memref<!tpu.dma_semaphore, #tpu.memory_space<semaphore_mem>>)
    %dma_wait3A_122 = arith.constant 0 : i32
    %dma_wait3A_123 = arith.constant 0 : i32
    %dma_wait3A_124 = tpu.memref_slice %arg6[%dma_wait3A_122, %dma_wait3A_123] : memref<1000000x64xf32, #tpu.memory_space<hbm>> -> memref<1000000x64xf32, #tpu.memory_space<hbm>>
    tpu.wait_indirect_dma semaphore(%arg12 : memref<!tpu.dma_semaphore, #tpu.memory_space<semaphore_mem>>) src(%dma_wait3A_124 : memref<1000000x64xf32, #tpu.memory_space<hbm>>) dst(%arg11 : memref<512x64xf32, #tpu.memory_space<vmem>>)
    "tpu.region"() ({
      %run_scoped3A = tpu.sem_alloc : memref<!tpu.dma_semaphore, #tpu.memory_space<semaphore_mem>>
      %dma_start3A_215 = arith.constant 0 : i32
      %dma_start3A_216 = tpu.memref_slice %arg9[%add3A_118, %dma_start3A_215] : memref<327680x64xf32, #tpu.memory_space<hbm>> -> memref<512x64xf32, #tpu.memory_space<hbm>>
      %dma_start3A_217 = arith.constant 0 : i32
      %dma_start3A_218 = tpu.memref_slice %arg9[%add3A_118, %dma_start3A_217] : memref<327680x64xf32, #tpu.memory_space<hbm>> -> memref<512x64xf32, #tpu.memory_space<hbm>>
      tpu.enqueue_dma source(%arg11 : memref<512x64xf32, #tpu.memory_space<vmem>>) target(%dma_start3A_218 : memref<512x64xf32, #tpu.memory_space<hbm>>) target_semaphore(%run_scoped3A : memref<!tpu.dma_semaphore, #tpu.memory_space<semaphore_mem>>)
      %dma_wait3A_219 = arith.constant 0 : i32
      %dma_wait3A_220 = tpu.memref_slice %arg9[%add3A_118, %dma_wait3A_219] : memref<327680x64xf32, #tpu.memory_space<hbm>> -> memref<512x64xf32, #tpu.memory_space<hbm>>
      %dma_wait3A_221 = arith.constant 0 : i32
      %dma_wait3A_222 = tpu.memref_slice %arg9[%add3A_118, %dma_wait3A_221] : memref<327680x64xf32, #tpu.memory_space<hbm>> -> memref<512x64xf32, #tpu.memory_space<hbm>>
      tpu.wait_dma2 semaphore(%run_scoped3A : memref<!tpu.dma_semaphore, #tpu.memory_space<semaphore_mem>>) src(%arg11 : memref<512x64xf32, #tpu.memory_space<vmem>>) dst(%dma_wait3A_222 : memref<512x64xf32, #tpu.memory_space<hbm>>)
      tpu.yield
    }) : () -> ()
    %add3A_125 = arith.constant 5632 : i32
    %add3A_126 = arith.addi %mul3A_14, %add3A_125 : i32
    %add3A_127 = arith.constant 5632 : i32
    %add3A_128 = arith.addi %mul3A_14, %add3A_127 : i32
    "tpu.region"() ({
      %run_scoped3A = tpu.sem_alloc : memref<!tpu.dma_semaphore, #tpu.memory_space<semaphore_mem>>
      %dma_start3A_215 = tpu.memref_slice %arg4[%add3A_126] : memref<327680xi32, #tpu.memory_space<hbm>> -> memref<512xi32, #tpu.memory_space<hbm>>
      %dma_start3A_216 = tpu.memref_slice %arg4[%add3A_126] : memref<327680xi32, #tpu.memory_space<hbm>> -> memref<512xi32, #tpu.memory_space<hbm>>
      tpu.enqueue_dma source(%dma_start3A_216 : memref<512xi32, #tpu.memory_space<hbm>>) target(%arg10 : memref<512xi32, #tpu.memory_space<vmem>>) target_semaphore(%run_scoped3A : memref<!tpu.dma_semaphore, #tpu.memory_space<semaphore_mem>>)
      %dma_wait3A_217 = tpu.memref_slice %arg4[%add3A_126] : memref<327680xi32, #tpu.memory_space<hbm>> -> memref<512xi32, #tpu.memory_space<hbm>>
      %dma_wait3A_218 = tpu.memref_slice %arg4[%add3A_126] : memref<327680xi32, #tpu.memory_space<hbm>> -> memref<512xi32, #tpu.memory_space<hbm>>
      tpu.wait_dma2 semaphore(%run_scoped3A : memref<!tpu.dma_semaphore, #tpu.memory_space<semaphore_mem>>) src(%dma_wait3A_218 : memref<512xi32, #tpu.memory_space<hbm>>) dst(%arg10 : memref<512xi32, #tpu.memory_space<vmem>>)
      tpu.yield
    }) : () -> ()
    %dma_start3A_129 = arith.constant 0 : i32
    %dma_start3A_130 = arith.constant 0 : i32
    %dma_start3A_131 = tpu.memref_slice %arg6[%dma_start3A_129, %dma_start3A_130] : memref<1000000x64xf32, #tpu.memory_space<hbm>> -> memref<1000000x64xf32, #tpu.memory_space<hbm>>
    tpu.enqueue_indirect_dma source(%dma_start3A_131 : memref<1000000x64xf32, #tpu.memory_space<hbm>>) target(%arg11 : memref<512x64xf32, #tpu.memory_space<vmem>>) offsets(%arg10 : memref<512xi32, #tpu.memory_space<vmem>>) semaphore(%arg12 : memref<!tpu.dma_semaphore, #tpu.memory_space<semaphore_mem>>)
    %dma_wait3A_132 = arith.constant 0 : i32
    %dma_wait3A_133 = arith.constant 0 : i32
    %dma_wait3A_134 = tpu.memref_slice %arg6[%dma_wait3A_132, %dma_wait3A_133] : memref<1000000x64xf32, #tpu.memory_space<hbm>> -> memref<1000000x64xf32, #tpu.memory_space<hbm>>
    tpu.wait_indirect_dma semaphore(%arg12 : memref<!tpu.dma_semaphore, #tpu.memory_space<semaphore_mem>>) src(%dma_wait3A_134 : memref<1000000x64xf32, #tpu.memory_space<hbm>>) dst(%arg11 : memref<512x64xf32, #tpu.memory_space<vmem>>)
    "tpu.region"() ({
      %run_scoped3A = tpu.sem_alloc : memref<!tpu.dma_semaphore, #tpu.memory_space<semaphore_mem>>
      %dma_start3A_215 = arith.constant 0 : i32
      %dma_start3A_216 = tpu.memref_slice %arg9[%add3A_128, %dma_start3A_215] : memref<327680x64xf32, #tpu.memory_space<hbm>> -> memref<512x64xf32, #tpu.memory_space<hbm>>
      %dma_start3A_217 = arith.constant 0 : i32
      %dma_start3A_218 = tpu.memref_slice %arg9[%add3A_128, %dma_start3A_217] : memref<327680x64xf32, #tpu.memory_space<hbm>> -> memref<512x64xf32, #tpu.memory_space<hbm>>
      tpu.enqueue_dma source(%arg11 : memref<512x64xf32, #tpu.memory_space<vmem>>) target(%dma_start3A_218 : memref<512x64xf32, #tpu.memory_space<hbm>>) target_semaphore(%run_scoped3A : memref<!tpu.dma_semaphore, #tpu.memory_space<semaphore_mem>>)
      %dma_wait3A_219 = arith.constant 0 : i32
      %dma_wait3A_220 = tpu.memref_slice %arg9[%add3A_128, %dma_wait3A_219] : memref<327680x64xf32, #tpu.memory_space<hbm>> -> memref<512x64xf32, #tpu.memory_space<hbm>>
      %dma_wait3A_221 = arith.constant 0 : i32
      %dma_wait3A_222 = tpu.memref_slice %arg9[%add3A_128, %dma_wait3A_221] : memref<327680x64xf32, #tpu.memory_space<hbm>> -> memref<512x64xf32, #tpu.memory_space<hbm>>
      tpu.wait_dma2 semaphore(%run_scoped3A : memref<!tpu.dma_semaphore, #tpu.memory_space<semaphore_mem>>) src(%arg11 : memref<512x64xf32, #tpu.memory_space<vmem>>) dst(%dma_wait3A_222 : memref<512x64xf32, #tpu.memory_space<hbm>>)
      tpu.yield
    }) : () -> ()
    %add3A_135 = arith.constant 6144 : i32
    %add3A_136 = arith.addi %mul3A_14, %add3A_135 : i32
    %add3A_137 = arith.constant 6144 : i32
    %add3A_138 = arith.addi %mul3A_14, %add3A_137 : i32
    "tpu.region"() ({
      %run_scoped3A = tpu.sem_alloc : memref<!tpu.dma_semaphore, #tpu.memory_space<semaphore_mem>>
      %dma_start3A_215 = tpu.memref_slice %arg4[%add3A_136] : memref<327680xi32, #tpu.memory_space<hbm>> -> memref<512xi32, #tpu.memory_space<hbm>>
      %dma_start3A_216 = tpu.memref_slice %arg4[%add3A_136] : memref<327680xi32, #tpu.memory_space<hbm>> -> memref<512xi32, #tpu.memory_space<hbm>>
      tpu.enqueue_dma source(%dma_start3A_216 : memref<512xi32, #tpu.memory_space<hbm>>) target(%arg10 : memref<512xi32, #tpu.memory_space<vmem>>) target_semaphore(%run_scoped3A : memref<!tpu.dma_semaphore, #tpu.memory_space<semaphore_mem>>)
      %dma_wait3A_217 = tpu.memref_slice %arg4[%add3A_136] : memref<327680xi32, #tpu.memory_space<hbm>> -> memref<512xi32, #tpu.memory_space<hbm>>
      %dma_wait3A_218 = tpu.memref_slice %arg4[%add3A_136] : memref<327680xi32, #tpu.memory_space<hbm>> -> memref<512xi32, #tpu.memory_space<hbm>>
      tpu.wait_dma2 semaphore(%run_scoped3A : memref<!tpu.dma_semaphore, #tpu.memory_space<semaphore_mem>>) src(%dma_wait3A_218 : memref<512xi32, #tpu.memory_space<hbm>>) dst(%arg10 : memref<512xi32, #tpu.memory_space<vmem>>)
      tpu.yield
    }) : () -> ()
    %dma_start3A_139 = arith.constant 0 : i32
    %dma_start3A_140 = arith.constant 0 : i32
    %dma_start3A_141 = tpu.memref_slice %arg6[%dma_start3A_139, %dma_start3A_140] : memref<1000000x64xf32, #tpu.memory_space<hbm>> -> memref<1000000x64xf32, #tpu.memory_space<hbm>>
    tpu.enqueue_indirect_dma source(%dma_start3A_141 : memref<1000000x64xf32, #tpu.memory_space<hbm>>) target(%arg11 : memref<512x64xf32, #tpu.memory_space<vmem>>) offsets(%arg10 : memref<512xi32, #tpu.memory_space<vmem>>) semaphore(%arg12 : memref<!tpu.dma_semaphore, #tpu.memory_space<semaphore_mem>>)
    %dma_wait3A_142 = arith.constant 0 : i32
    %dma_wait3A_143 = arith.constant 0 : i32
    %dma_wait3A_144 = tpu.memref_slice %arg6[%dma_wait3A_142, %dma_wait3A_143] : memref<1000000x64xf32, #tpu.memory_space<hbm>> -> memref<1000000x64xf32, #tpu.memory_space<hbm>>
    tpu.wait_indirect_dma semaphore(%arg12 : memref<!tpu.dma_semaphore, #tpu.memory_space<semaphore_mem>>) src(%dma_wait3A_144 : memref<1000000x64xf32, #tpu.memory_space<hbm>>) dst(%arg11 : memref<512x64xf32, #tpu.memory_space<vmem>>)
    "tpu.region"() ({
      %run_scoped3A = tpu.sem_alloc : memref<!tpu.dma_semaphore, #tpu.memory_space<semaphore_mem>>
      %dma_start3A_215 = arith.constant 0 : i32
      %dma_start3A_216 = tpu.memref_slice %arg9[%add3A_138, %dma_start3A_215] : memref<327680x64xf32, #tpu.memory_space<hbm>> -> memref<512x64xf32, #tpu.memory_space<hbm>>
      %dma_start3A_217 = arith.constant 0 : i32
      %dma_start3A_218 = tpu.memref_slice %arg9[%add3A_138, %dma_start3A_217] : memref<327680x64xf32, #tpu.memory_space<hbm>> -> memref<512x64xf32, #tpu.memory_space<hbm>>
      tpu.enqueue_dma source(%arg11 : memref<512x64xf32, #tpu.memory_space<vmem>>) target(%dma_start3A_218 : memref<512x64xf32, #tpu.memory_space<hbm>>) target_semaphore(%run_scoped3A : memref<!tpu.dma_semaphore, #tpu.memory_space<semaphore_mem>>)
      %dma_wait3A_219 = arith.constant 0 : i32
      %dma_wait3A_220 = tpu.memref_slice %arg9[%add3A_138, %dma_wait3A_219] : memref<327680x64xf32, #tpu.memory_space<hbm>> -> memref<512x64xf32, #tpu.memory_space<hbm>>
      %dma_wait3A_221 = arith.constant 0 : i32
      %dma_wait3A_222 = tpu.memref_slice %arg9[%add3A_138, %dma_wait3A_221] : memref<327680x64xf32, #tpu.memory_space<hbm>> -> memref<512x64xf32, #tpu.memory_space<hbm>>
      tpu.wait_dma2 semaphore(%run_scoped3A : memref<!tpu.dma_semaphore, #tpu.memory_space<semaphore_mem>>) src(%arg11 : memref<512x64xf32, #tpu.memory_space<vmem>>) dst(%dma_wait3A_222 : memref<512x64xf32, #tpu.memory_space<hbm>>)
      tpu.yield
    }) : () -> ()
    %add3A_145 = arith.constant 6656 : i32
    %add3A_146 = arith.addi %mul3A_14, %add3A_145 : i32
    %add3A_147 = arith.constant 6656 : i32
    %add3A_148 = arith.addi %mul3A_14, %add3A_147 : i32
    "tpu.region"() ({
      %run_scoped3A = tpu.sem_alloc : memref<!tpu.dma_semaphore, #tpu.memory_space<semaphore_mem>>
      %dma_start3A_215 = tpu.memref_slice %arg4[%add3A_146] : memref<327680xi32, #tpu.memory_space<hbm>> -> memref<512xi32, #tpu.memory_space<hbm>>
      %dma_start3A_216 = tpu.memref_slice %arg4[%add3A_146] : memref<327680xi32, #tpu.memory_space<hbm>> -> memref<512xi32, #tpu.memory_space<hbm>>
      tpu.enqueue_dma source(%dma_start3A_216 : memref<512xi32, #tpu.memory_space<hbm>>) target(%arg10 : memref<512xi32, #tpu.memory_space<vmem>>) target_semaphore(%run_scoped3A : memref<!tpu.dma_semaphore, #tpu.memory_space<semaphore_mem>>)
      %dma_wait3A_217 = tpu.memref_slice %arg4[%add3A_146] : memref<327680xi32, #tpu.memory_space<hbm>> -> memref<512xi32, #tpu.memory_space<hbm>>
      %dma_wait3A_218 = tpu.memref_slice %arg4[%add3A_146] : memref<327680xi32, #tpu.memory_space<hbm>> -> memref<512xi32, #tpu.memory_space<hbm>>
      tpu.wait_dma2 semaphore(%run_scoped3A : memref<!tpu.dma_semaphore, #tpu.memory_space<semaphore_mem>>) src(%dma_wait3A_218 : memref<512xi32, #tpu.memory_space<hbm>>) dst(%arg10 : memref<512xi32, #tpu.memory_space<vmem>>)
      tpu.yield
    }) : () -> ()
    %dma_start3A_149 = arith.constant 0 : i32
    %dma_start3A_150 = arith.constant 0 : i32
    %dma_start3A_151 = tpu.memref_slice %arg6[%dma_start3A_149, %dma_start3A_150] : memref<1000000x64xf32, #tpu.memory_space<hbm>> -> memref<1000000x64xf32, #tpu.memory_space<hbm>>
    tpu.enqueue_indirect_dma source(%dma_start3A_151 : memref<1000000x64xf32, #tpu.memory_space<hbm>>) target(%arg11 : memref<512x64xf32, #tpu.memory_space<vmem>>) offsets(%arg10 : memref<512xi32, #tpu.memory_space<vmem>>) semaphore(%arg12 : memref<!tpu.dma_semaphore, #tpu.memory_space<semaphore_mem>>)
    %dma_wait3A_152 = arith.constant 0 : i32
    %dma_wait3A_153 = arith.constant 0 : i32
    %dma_wait3A_154 = tpu.memref_slice %arg6[%dma_wait3A_152, %dma_wait3A_153] : memref<1000000x64xf32, #tpu.memory_space<hbm>> -> memref<1000000x64xf32, #tpu.memory_space<hbm>>
    tpu.wait_indirect_dma semaphore(%arg12 : memref<!tpu.dma_semaphore, #tpu.memory_space<semaphore_mem>>) src(%dma_wait3A_154 : memref<1000000x64xf32, #tpu.memory_space<hbm>>) dst(%arg11 : memref<512x64xf32, #tpu.memory_space<vmem>>)
    "tpu.region"() ({
      %run_scoped3A = tpu.sem_alloc : memref<!tpu.dma_semaphore, #tpu.memory_space<semaphore_mem>>
      %dma_start3A_215 = arith.constant 0 : i32
      %dma_start3A_216 = tpu.memref_slice %arg9[%add3A_148, %dma_start3A_215] : memref<327680x64xf32, #tpu.memory_space<hbm>> -> memref<512x64xf32, #tpu.memory_space<hbm>>
      %dma_start3A_217 = arith.constant 0 : i32
      %dma_start3A_218 = tpu.memref_slice %arg9[%add3A_148, %dma_start3A_217] : memref<327680x64xf32, #tpu.memory_space<hbm>> -> memref<512x64xf32, #tpu.memory_space<hbm>>
      tpu.enqueue_dma source(%arg11 : memref<512x64xf32, #tpu.memory_space<vmem>>) target(%dma_start3A_218 : memref<512x64xf32, #tpu.memory_space<hbm>>) target_semaphore(%run_scoped3A : memref<!tpu.dma_semaphore, #tpu.memory_space<semaphore_mem>>)
      %dma_wait3A_219 = arith.constant 0 : i32
      %dma_wait3A_220 = tpu.memref_slice %arg9[%add3A_148, %dma_wait3A_219] : memref<327680x64xf32, #tpu.memory_space<hbm>> -> memref<512x64xf32, #tpu.memory_space<hbm>>
      %dma_wait3A_221 = arith.constant 0 : i32
      %dma_wait3A_222 = tpu.memref_slice %arg9[%add3A_148, %dma_wait3A_221] : memref<327680x64xf32, #tpu.memory_space<hbm>> -> memref<512x64xf32, #tpu.memory_space<hbm>>
      tpu.wait_dma2 semaphore(%run_scoped3A : memref<!tpu.dma_semaphore, #tpu.memory_space<semaphore_mem>>) src(%arg11 : memref<512x64xf32, #tpu.memory_space<vmem>>) dst(%dma_wait3A_222 : memref<512x64xf32, #tpu.memory_space<hbm>>)
      tpu.yield
    }) : () -> ()
    %add3A_155 = arith.constant 7168 : i32
    %add3A_156 = arith.addi %mul3A_14, %add3A_155 : i32
    %add3A_157 = arith.constant 7168 : i32
    %add3A_158 = arith.addi %mul3A_14, %add3A_157 : i32
    "tpu.region"() ({
      %run_scoped3A = tpu.sem_alloc : memref<!tpu.dma_semaphore, #tpu.memory_space<semaphore_mem>>
      %dma_start3A_215 = tpu.memref_slice %arg4[%add3A_156] : memref<327680xi32, #tpu.memory_space<hbm>> -> memref<512xi32, #tpu.memory_space<hbm>>
      %dma_start3A_216 = tpu.memref_slice %arg4[%add3A_156] : memref<327680xi32, #tpu.memory_space<hbm>> -> memref<512xi32, #tpu.memory_space<hbm>>
      tpu.enqueue_dma source(%dma_start3A_216 : memref<512xi32, #tpu.memory_space<hbm>>) target(%arg10 : memref<512xi32, #tpu.memory_space<vmem>>) target_semaphore(%run_scoped3A : memref<!tpu.dma_semaphore, #tpu.memory_space<semaphore_mem>>)
      %dma_wait3A_217 = tpu.memref_slice %arg4[%add3A_156] : memref<327680xi32, #tpu.memory_space<hbm>> -> memref<512xi32, #tpu.memory_space<hbm>>
      %dma_wait3A_218 = tpu.memref_slice %arg4[%add3A_156] : memref<327680xi32, #tpu.memory_space<hbm>> -> memref<512xi32, #tpu.memory_space<hbm>>
      tpu.wait_dma2 semaphore(%run_scoped3A : memref<!tpu.dma_semaphore, #tpu.memory_space<semaphore_mem>>) src(%dma_wait3A_218 : memref<512xi32, #tpu.memory_space<hbm>>) dst(%arg10 : memref<512xi32, #tpu.memory_space<vmem>>)
      tpu.yield
    }) : () -> ()
    %dma_start3A_159 = arith.constant 0 : i32
    %dma_start3A_160 = arith.constant 0 : i32
    %dma_start3A_161 = tpu.memref_slice %arg6[%dma_start3A_159, %dma_start3A_160] : memref<1000000x64xf32, #tpu.memory_space<hbm>> -> memref<1000000x64xf32, #tpu.memory_space<hbm>>
    tpu.enqueue_indirect_dma source(%dma_start3A_161 : memref<1000000x64xf32, #tpu.memory_space<hbm>>) target(%arg11 : memref<512x64xf32, #tpu.memory_space<vmem>>) offsets(%arg10 : memref<512xi32, #tpu.memory_space<vmem>>) semaphore(%arg12 : memref<!tpu.dma_semaphore, #tpu.memory_space<semaphore_mem>>)
    %dma_wait3A_162 = arith.constant 0 : i32
    %dma_wait3A_163 = arith.constant 0 : i32
    %dma_wait3A_164 = tpu.memref_slice %arg6[%dma_wait3A_162, %dma_wait3A_163] : memref<1000000x64xf32, #tpu.memory_space<hbm>> -> memref<1000000x64xf32, #tpu.memory_space<hbm>>
    tpu.wait_indirect_dma semaphore(%arg12 : memref<!tpu.dma_semaphore, #tpu.memory_space<semaphore_mem>>) src(%dma_wait3A_164 : memref<1000000x64xf32, #tpu.memory_space<hbm>>) dst(%arg11 : memref<512x64xf32, #tpu.memory_space<vmem>>)
    "tpu.region"() ({
      %run_scoped3A = tpu.sem_alloc : memref<!tpu.dma_semaphore, #tpu.memory_space<semaphore_mem>>
      %dma_start3A_215 = arith.constant 0 : i32
      %dma_start3A_216 = tpu.memref_slice %arg9[%add3A_158, %dma_start3A_215] : memref<327680x64xf32, #tpu.memory_space<hbm>> -> memref<512x64xf32, #tpu.memory_space<hbm>>
      %dma_start3A_217 = arith.constant 0 : i32
      %dma_start3A_218 = tpu.memref_slice %arg9[%add3A_158, %dma_start3A_217] : memref<327680x64xf32, #tpu.memory_space<hbm>> -> memref<512x64xf32, #tpu.memory_space<hbm>>
      tpu.enqueue_dma source(%arg11 : memref<512x64xf32, #tpu.memory_space<vmem>>) target(%dma_start3A_218 : memref<512x64xf32, #tpu.memory_space<hbm>>) target_semaphore(%run_scoped3A : memref<!tpu.dma_semaphore, #tpu.memory_space<semaphore_mem>>)
      %dma_wait3A_219 = arith.constant 0 : i32
      %dma_wait3A_220 = tpu.memref_slice %arg9[%add3A_158, %dma_wait3A_219] : memref<327680x64xf32, #tpu.memory_space<hbm>> -> memref<512x64xf32, #tpu.memory_space<hbm>>
      %dma_wait3A_221 = arith.constant 0 : i32
      %dma_wait3A_222 = tpu.memref_slice %arg9[%add3A_158, %dma_wait3A_221] : memref<327680x64xf32, #tpu.memory_space<hbm>> -> memref<512x64xf32, #tpu.memory_space<hbm>>
      tpu.wait_dma2 semaphore(%run_scoped3A : memref<!tpu.dma_semaphore, #tpu.memory_space<semaphore_mem>>) src(%arg11 : memref<512x64xf32, #tpu.memory_space<vmem>>) dst(%dma_wait3A_222 : memref<512x64xf32, #tpu.memory_space<hbm>>)
      tpu.yield
    }) : () -> ()
    %add3A_165 = arith.constant 7680 : i32
    %add3A_166 = arith.addi %mul3A_14, %add3A_165 : i32
    %add3A_167 = arith.constant 7680 : i32
    %add3A_168 = arith.addi %mul3A_14, %add3A_167 : i32
    "tpu.region"() ({
      %run_scoped3A = tpu.sem_alloc : memref<!tpu.dma_semaphore, #tpu.memory_space<semaphore_mem>>
      %dma_start3A_215 = tpu.memref_slice %arg4[%add3A_166] : memref<327680xi32, #tpu.memory_space<hbm>> -> memref<512xi32, #tpu.memory_space<hbm>>
      %dma_start3A_216 = tpu.memref_slice %arg4[%add3A_166] : memref<327680xi32, #tpu.memory_space<hbm>> -> memref<512xi32, #tpu.memory_space<hbm>>
      tpu.enqueue_dma source(%dma_start3A_216 : memref<512xi32, #tpu.memory_space<hbm>>) target(%arg10 : memref<512xi32, #tpu.memory_space<vmem>>) target_semaphore(%run_scoped3A : memref<!tpu.dma_semaphore, #tpu.memory_space<semaphore_mem>>)
      %dma_wait3A_217 = tpu.memref_slice %arg4[%add3A_166] : memref<327680xi32, #tpu.memory_space<hbm>> -> memref<512xi32, #tpu.memory_space<hbm>>
      %dma_wait3A_218 = tpu.memref_slice %arg4[%add3A_166] : memref<327680xi32, #tpu.memory_space<hbm>> -> memref<512xi32, #tpu.memory_space<hbm>>
      tpu.wait_dma2 semaphore(%run_scoped3A : memref<!tpu.dma_semaphore, #tpu.memory_space<semaphore_mem>>) src(%dma_wait3A_218 : memref<512xi32, #tpu.memory_space<hbm>>) dst(%arg10 : memref<512xi32, #tpu.memory_space<vmem>>)
      tpu.yield
    }) : () -> ()
    %dma_start3A_169 = arith.constant 0 : i32
    %dma_start3A_170 = arith.constant 0 : i32
    %dma_start3A_171 = tpu.memref_slice %arg6[%dma_start3A_169, %dma_start3A_170] : memref<1000000x64xf32, #tpu.memory_space<hbm>> -> memref<1000000x64xf32, #tpu.memory_space<hbm>>
    tpu.enqueue_indirect_dma source(%dma_start3A_171 : memref<1000000x64xf32, #tpu.memory_space<hbm>>) target(%arg11 : memref<512x64xf32, #tpu.memory_space<vmem>>) offsets(%arg10 : memref<512xi32, #tpu.memory_space<vmem>>) semaphore(%arg12 : memref<!tpu.dma_semaphore, #tpu.memory_space<semaphore_mem>>)
    %dma_wait3A_172 = arith.constant 0 : i32
    %dma_wait3A_173 = arith.constant 0 : i32
    %dma_wait3A_174 = tpu.memref_slice %arg6[%dma_wait3A_172, %dma_wait3A_173] : memref<1000000x64xf32, #tpu.memory_space<hbm>> -> memref<1000000x64xf32, #tpu.memory_space<hbm>>
    tpu.wait_indirect_dma semaphore(%arg12 : memref<!tpu.dma_semaphore, #tpu.memory_space<semaphore_mem>>) src(%dma_wait3A_174 : memref<1000000x64xf32, #tpu.memory_space<hbm>>) dst(%arg11 : memref<512x64xf32, #tpu.memory_space<vmem>>)
    "tpu.region"() ({
      %run_scoped3A = tpu.sem_alloc : memref<!tpu.dma_semaphore, #tpu.memory_space<semaphore_mem>>
      %dma_start3A_215 = arith.constant 0 : i32
      %dma_start3A_216 = tpu.memref_slice %arg9[%add3A_168, %dma_start3A_215] : memref<327680x64xf32, #tpu.memory_space<hbm>> -> memref<512x64xf32, #tpu.memory_space<hbm>>
      %dma_start3A_217 = arith.constant 0 : i32
      %dma_start3A_218 = tpu.memref_slice %arg9[%add3A_168, %dma_start3A_217] : memref<327680x64xf32, #tpu.memory_space<hbm>> -> memref<512x64xf32, #tpu.memory_space<hbm>>
      tpu.enqueue_dma source(%arg11 : memref<512x64xf32, #tpu.memory_space<vmem>>) target(%dma_start3A_218 : memref<512x64xf32, #tpu.memory_space<hbm>>) target_semaphore(%run_scoped3A : memref<!tpu.dma_semaphore, #tpu.memory_space<semaphore_mem>>)
      %dma_wait3A_219 = arith.constant 0 : i32
      %dma_wait3A_220 = tpu.memref_slice %arg9[%add3A_168, %dma_wait3A_219] : memref<327680x64xf32, #tpu.memory_space<hbm>> -> memref<512x64xf32, #tpu.memory_space<hbm>>
      %dma_wait3A_221 = arith.constant 0 : i32
      %dma_wait3A_222 = tpu.memref_slice %arg9[%add3A_168, %dma_wait3A_221] : memref<327680x64xf32, #tpu.memory_space<hbm>> -> memref<512x64xf32, #tpu.memory_space<hbm>>
      tpu.wait_dma2 semaphore(%run_scoped3A : memref<!tpu.dma_semaphore, #tpu.memory_space<semaphore_mem>>) src(%arg11 : memref<512x64xf32, #tpu.memory_space<vmem>>) dst(%dma_wait3A_222 : memref<512x64xf32, #tpu.memory_space<hbm>>)
      tpu.yield
    }) : () -> ()
    %add3A_175 = arith.constant 8192 : i32
    %add3A_176 = arith.addi %mul3A_14, %add3A_175 : i32
    %add3A_177 = arith.constant 8192 : i32
    %add3A_178 = arith.addi %mul3A_14, %add3A_177 : i32
    "tpu.region"() ({
      %run_scoped3A = tpu.sem_alloc : memref<!tpu.dma_semaphore, #tpu.memory_space<semaphore_mem>>
      %dma_start3A_215 = tpu.memref_slice %arg4[%add3A_176] : memref<327680xi32, #tpu.memory_space<hbm>> -> memref<512xi32, #tpu.memory_space<hbm>>
      %dma_start3A_216 = tpu.memref_slice %arg4[%add3A_176] : memref<327680xi32, #tpu.memory_space<hbm>> -> memref<512xi32, #tpu.memory_space<hbm>>
      tpu.enqueue_dma source(%dma_start3A_216 : memref<512xi32, #tpu.memory_space<hbm>>) target(%arg10 : memref<512xi32, #tpu.memory_space<vmem>>) target_semaphore(%run_scoped3A : memref<!tpu.dma_semaphore, #tpu.memory_space<semaphore_mem>>)
      %dma_wait3A_217 = tpu.memref_slice %arg4[%add3A_176] : memref<327680xi32, #tpu.memory_space<hbm>> -> memref<512xi32, #tpu.memory_space<hbm>>
      %dma_wait3A_218 = tpu.memref_slice %arg4[%add3A_176] : memref<327680xi32, #tpu.memory_space<hbm>> -> memref<512xi32, #tpu.memory_space<hbm>>
      tpu.wait_dma2 semaphore(%run_scoped3A : memref<!tpu.dma_semaphore, #tpu.memory_space<semaphore_mem>>) src(%dma_wait3A_218 : memref<512xi32, #tpu.memory_space<hbm>>) dst(%arg10 : memref<512xi32, #tpu.memory_space<vmem>>)
      tpu.yield
    }) : () -> ()
    %dma_start3A_179 = arith.constant 0 : i32
    %dma_start3A_180 = arith.constant 0 : i32
    %dma_start3A_181 = tpu.memref_slice %arg6[%dma_start3A_179, %dma_start3A_180] : memref<1000000x64xf32, #tpu.memory_space<hbm>> -> memref<1000000x64xf32, #tpu.memory_space<hbm>>
    tpu.enqueue_indirect_dma source(%dma_start3A_181 : memref<1000000x64xf32, #tpu.memory_space<hbm>>) target(%arg11 : memref<512x64xf32, #tpu.memory_space<vmem>>) offsets(%arg10 : memref<512xi32, #tpu.memory_space<vmem>>) semaphore(%arg12 : memref<!tpu.dma_semaphore, #tpu.memory_space<semaphore_mem>>)
    %dma_wait3A_182 = arith.constant 0 : i32
    %dma_wait3A_183 = arith.constant 0 : i32
    %dma_wait3A_184 = tpu.memref_slice %arg6[%dma_wait3A_182, %dma_wait3A_183] : memref<1000000x64xf32, #tpu.memory_space<hbm>> -> memref<1000000x64xf32, #tpu.memory_space<hbm>>
    tpu.wait_indirect_dma semaphore(%arg12 : memref<!tpu.dma_semaphore, #tpu.memory_space<semaphore_mem>>) src(%dma_wait3A_184 : memref<1000000x64xf32, #tpu.memory_space<hbm>>) dst(%arg11 : memref<512x64xf32, #tpu.memory_space<vmem>>)
    "tpu.region"() ({
      %run_scoped3A = tpu.sem_alloc : memref<!tpu.dma_semaphore, #tpu.memory_space<semaphore_mem>>
      %dma_start3A_215 = arith.constant 0 : i32
      %dma_start3A_216 = tpu.memref_slice %arg9[%add3A_178, %dma_start3A_215] : memref<327680x64xf32, #tpu.memory_space<hbm>> -> memref<512x64xf32, #tpu.memory_space<hbm>>
      %dma_start3A_217 = arith.constant 0 : i32
      %dma_start3A_218 = tpu.memref_slice %arg9[%add3A_178, %dma_start3A_217] : memref<327680x64xf32, #tpu.memory_space<hbm>> -> memref<512x64xf32, #tpu.memory_space<hbm>>
      tpu.enqueue_dma source(%arg11 : memref<512x64xf32, #tpu.memory_space<vmem>>) target(%dma_start3A_218 : memref<512x64xf32, #tpu.memory_space<hbm>>) target_semaphore(%run_scoped3A : memref<!tpu.dma_semaphore, #tpu.memory_space<semaphore_mem>>)
      %dma_wait3A_219 = arith.constant 0 : i32
      %dma_wait3A_220 = tpu.memref_slice %arg9[%add3A_178, %dma_wait3A_219] : memref<327680x64xf32, #tpu.memory_space<hbm>> -> memref<512x64xf32, #tpu.memory_space<hbm>>
      %dma_wait3A_221 = arith.constant 0 : i32
      %dma_wait3A_222 = tpu.memref_slice %arg9[%add3A_178, %dma_wait3A_221] : memref<327680x64xf32, #tpu.memory_space<hbm>> -> memref<512x64xf32, #tpu.memory_space<hbm>>
      tpu.wait_dma2 semaphore(%run_scoped3A : memref<!tpu.dma_semaphore, #tpu.memory_space<semaphore_mem>>) src(%arg11 : memref<512x64xf32, #tpu.memory_space<vmem>>) dst(%dma_wait3A_222 : memref<512x64xf32, #tpu.memory_space<hbm>>)
      tpu.yield
    }) : () -> ()
    %add3A_185 = arith.constant 8704 : i32
    %add3A_186 = arith.addi %mul3A_14, %add3A_185 : i32
    %add3A_187 = arith.constant 8704 : i32
    %add3A_188 = arith.addi %mul3A_14, %add3A_187 : i32
    "tpu.region"() ({
      %run_scoped3A = tpu.sem_alloc : memref<!tpu.dma_semaphore, #tpu.memory_space<semaphore_mem>>
      %dma_start3A_215 = tpu.memref_slice %arg4[%add3A_186] : memref<327680xi32, #tpu.memory_space<hbm>> -> memref<512xi32, #tpu.memory_space<hbm>>
      %dma_start3A_216 = tpu.memref_slice %arg4[%add3A_186] : memref<327680xi32, #tpu.memory_space<hbm>> -> memref<512xi32, #tpu.memory_space<hbm>>
      tpu.enqueue_dma source(%dma_start3A_216 : memref<512xi32, #tpu.memory_space<hbm>>) target(%arg10 : memref<512xi32, #tpu.memory_space<vmem>>) target_semaphore(%run_scoped3A : memref<!tpu.dma_semaphore, #tpu.memory_space<semaphore_mem>>)
      %dma_wait3A_217 = tpu.memref_slice %arg4[%add3A_186] : memref<327680xi32, #tpu.memory_space<hbm>> -> memref<512xi32, #tpu.memory_space<hbm>>
      %dma_wait3A_218 = tpu.memref_slice %arg4[%add3A_186] : memref<327680xi32, #tpu.memory_space<hbm>> -> memref<512xi32, #tpu.memory_space<hbm>>
      tpu.wait_dma2 semaphore(%run_scoped3A : memref<!tpu.dma_semaphore, #tpu.memory_space<semaphore_mem>>) src(%dma_wait3A_218 : memref<512xi32, #tpu.memory_space<hbm>>) dst(%arg10 : memref<512xi32, #tpu.memory_space<vmem>>)
      tpu.yield
    }) : () -> ()
    %dma_start3A_189 = arith.constant 0 : i32
    %dma_start3A_190 = arith.constant 0 : i32
    %dma_start3A_191 = tpu.memref_slice %arg6[%dma_start3A_189, %dma_start3A_190] : memref<1000000x64xf32, #tpu.memory_space<hbm>> -> memref<1000000x64xf32, #tpu.memory_space<hbm>>
    tpu.enqueue_indirect_dma source(%dma_start3A_191 : memref<1000000x64xf32, #tpu.memory_space<hbm>>) target(%arg11 : memref<512x64xf32, #tpu.memory_space<vmem>>) offsets(%arg10 : memref<512xi32, #tpu.memory_space<vmem>>) semaphore(%arg12 : memref<!tpu.dma_semaphore, #tpu.memory_space<semaphore_mem>>)
    %dma_wait3A_192 = arith.constant 0 : i32
    %dma_wait3A_193 = arith.constant 0 : i32
    %dma_wait3A_194 = tpu.memref_slice %arg6[%dma_wait3A_192, %dma_wait3A_193] : memref<1000000x64xf32, #tpu.memory_space<hbm>> -> memref<1000000x64xf32, #tpu.memory_space<hbm>>
    tpu.wait_indirect_dma semaphore(%arg12 : memref<!tpu.dma_semaphore, #tpu.memory_space<semaphore_mem>>) src(%dma_wait3A_194 : memref<1000000x64xf32, #tpu.memory_space<hbm>>) dst(%arg11 : memref<512x64xf32, #tpu.memory_space<vmem>>)
    "tpu.region"() ({
      %run_scoped3A = tpu.sem_alloc : memref<!tpu.dma_semaphore, #tpu.memory_space<semaphore_mem>>
      %dma_start3A_215 = arith.constant 0 : i32
      %dma_start3A_216 = tpu.memref_slice %arg9[%add3A_188, %dma_start3A_215] : memref<327680x64xf32, #tpu.memory_space<hbm>> -> memref<512x64xf32, #tpu.memory_space<hbm>>
      %dma_start3A_217 = arith.constant 0 : i32
      %dma_start3A_218 = tpu.memref_slice %arg9[%add3A_188, %dma_start3A_217] : memref<327680x64xf32, #tpu.memory_space<hbm>> -> memref<512x64xf32, #tpu.memory_space<hbm>>
      tpu.enqueue_dma source(%arg11 : memref<512x64xf32, #tpu.memory_space<vmem>>) target(%dma_start3A_218 : memref<512x64xf32, #tpu.memory_space<hbm>>) target_semaphore(%run_scoped3A : memref<!tpu.dma_semaphore, #tpu.memory_space<semaphore_mem>>)
      %dma_wait3A_219 = arith.constant 0 : i32
      %dma_wait3A_220 = tpu.memref_slice %arg9[%add3A_188, %dma_wait3A_219] : memref<327680x64xf32, #tpu.memory_space<hbm>> -> memref<512x64xf32, #tpu.memory_space<hbm>>
      %dma_wait3A_221 = arith.constant 0 : i32
      %dma_wait3A_222 = tpu.memref_slice %arg9[%add3A_188, %dma_wait3A_221] : memref<327680x64xf32, #tpu.memory_space<hbm>> -> memref<512x64xf32, #tpu.memory_space<hbm>>
      tpu.wait_dma2 semaphore(%run_scoped3A : memref<!tpu.dma_semaphore, #tpu.memory_space<semaphore_mem>>) src(%arg11 : memref<512x64xf32, #tpu.memory_space<vmem>>) dst(%dma_wait3A_222 : memref<512x64xf32, #tpu.memory_space<hbm>>)
      tpu.yield
    }) : () -> ()
    %add3A_195 = arith.constant 9216 : i32
    %add3A_196 = arith.addi %mul3A_14, %add3A_195 : i32
    %add3A_197 = arith.constant 9216 : i32
    %add3A_198 = arith.addi %mul3A_14, %add3A_197 : i32
    "tpu.region"() ({
      %run_scoped3A = tpu.sem_alloc : memref<!tpu.dma_semaphore, #tpu.memory_space<semaphore_mem>>
      %dma_start3A_215 = tpu.memref_slice %arg4[%add3A_196] : memref<327680xi32, #tpu.memory_space<hbm>> -> memref<512xi32, #tpu.memory_space<hbm>>
      %dma_start3A_216 = tpu.memref_slice %arg4[%add3A_196] : memref<327680xi32, #tpu.memory_space<hbm>> -> memref<512xi32, #tpu.memory_space<hbm>>
      tpu.enqueue_dma source(%dma_start3A_216 : memref<512xi32, #tpu.memory_space<hbm>>) target(%arg10 : memref<512xi32, #tpu.memory_space<vmem>>) target_semaphore(%run_scoped3A : memref<!tpu.dma_semaphore, #tpu.memory_space<semaphore_mem>>)
      %dma_wait3A_217 = tpu.memref_slice %arg4[%add3A_196] : memref<327680xi32, #tpu.memory_space<hbm>> -> memref<512xi32, #tpu.memory_space<hbm>>
      %dma_wait3A_218 = tpu.memref_slice %arg4[%add3A_196] : memref<327680xi32, #tpu.memory_space<hbm>> -> memref<512xi32, #tpu.memory_space<hbm>>
      tpu.wait_dma2 semaphore(%run_scoped3A : memref<!tpu.dma_semaphore, #tpu.memory_space<semaphore_mem>>) src(%dma_wait3A_218 : memref<512xi32, #tpu.memory_space<hbm>>) dst(%arg10 : memref<512xi32, #tpu.memory_space<vmem>>)
      tpu.yield
    }) : () -> ()
    %dma_start3A_199 = arith.constant 0 : i32
    %dma_start3A_200 = arith.constant 0 : i32
    %dma_start3A_201 = tpu.memref_slice %arg6[%dma_start3A_199, %dma_start3A_200] : memref<1000000x64xf32, #tpu.memory_space<hbm>> -> memref<1000000x64xf32, #tpu.memory_space<hbm>>
    tpu.enqueue_indirect_dma source(%dma_start3A_201 : memref<1000000x64xf32, #tpu.memory_space<hbm>>) target(%arg11 : memref<512x64xf32, #tpu.memory_space<vmem>>) offsets(%arg10 : memref<512xi32, #tpu.memory_space<vmem>>) semaphore(%arg12 : memref<!tpu.dma_semaphore, #tpu.memory_space<semaphore_mem>>)
    %dma_wait3A_202 = arith.constant 0 : i32
    %dma_wait3A_203 = arith.constant 0 : i32
    %dma_wait3A_204 = tpu.memref_slice %arg6[%dma_wait3A_202, %dma_wait3A_203] : memref<1000000x64xf32, #tpu.memory_space<hbm>> -> memref<1000000x64xf32, #tpu.memory_space<hbm>>
    tpu.wait_indirect_dma semaphore(%arg12 : memref<!tpu.dma_semaphore, #tpu.memory_space<semaphore_mem>>) src(%dma_wait3A_204 : memref<1000000x64xf32, #tpu.memory_space<hbm>>) dst(%arg11 : memref<512x64xf32, #tpu.memory_space<vmem>>)
    "tpu.region"() ({
      %run_scoped3A = tpu.sem_alloc : memref<!tpu.dma_semaphore, #tpu.memory_space<semaphore_mem>>
      %dma_start3A_215 = arith.constant 0 : i32
      %dma_start3A_216 = tpu.memref_slice %arg9[%add3A_198, %dma_start3A_215] : memref<327680x64xf32, #tpu.memory_space<hbm>> -> memref<512x64xf32, #tpu.memory_space<hbm>>
      %dma_start3A_217 = arith.constant 0 : i32
      %dma_start3A_218 = tpu.memref_slice %arg9[%add3A_198, %dma_start3A_217] : memref<327680x64xf32, #tpu.memory_space<hbm>> -> memref<512x64xf32, #tpu.memory_space<hbm>>
      tpu.enqueue_dma source(%arg11 : memref<512x64xf32, #tpu.memory_space<vmem>>) target(%dma_start3A_218 : memref<512x64xf32, #tpu.memory_space<hbm>>) target_semaphore(%run_scoped3A : memref<!tpu.dma_semaphore, #tpu.memory_space<semaphore_mem>>)
      %dma_wait3A_219 = arith.constant 0 : i32
      %dma_wait3A_220 = tpu.memref_slice %arg9[%add3A_198, %dma_wait3A_219] : memref<327680x64xf32, #tpu.memory_space<hbm>> -> memref<512x64xf32, #tpu.memory_space<hbm>>
      %dma_wait3A_221 = arith.constant 0 : i32
      %dma_wait3A_222 = tpu.memref_slice %arg9[%add3A_198, %dma_wait3A_221] : memref<327680x64xf32, #tpu.memory_space<hbm>> -> memref<512x64xf32, #tpu.memory_space<hbm>>
      tpu.wait_dma2 semaphore(%run_scoped3A : memref<!tpu.dma_semaphore, #tpu.memory_space<semaphore_mem>>) src(%arg11 : memref<512x64xf32, #tpu.memory_space<vmem>>) dst(%dma_wait3A_222 : memref<512x64xf32, #tpu.memory_space<hbm>>)
      tpu.yield
    }) : () -> ()
    %add3A_205 = arith.constant 9728 : i32
    %add3A_206 = arith.addi %mul3A_14, %add3A_205 : i32
    %add3A_207 = arith.constant 9728 : i32
    %add3A_208 = arith.addi %mul3A_14, %add3A_207 : i32
    "tpu.region"() ({
      %run_scoped3A = tpu.sem_alloc : memref<!tpu.dma_semaphore, #tpu.memory_space<semaphore_mem>>
      %dma_start3A_215 = tpu.memref_slice %arg4[%add3A_206] : memref<327680xi32, #tpu.memory_space<hbm>> -> memref<512xi32, #tpu.memory_space<hbm>>
      %dma_start3A_216 = tpu.memref_slice %arg4[%add3A_206] : memref<327680xi32, #tpu.memory_space<hbm>> -> memref<512xi32, #tpu.memory_space<hbm>>
      tpu.enqueue_dma source(%dma_start3A_216 : memref<512xi32, #tpu.memory_space<hbm>>) target(%arg10 : memref<512xi32, #tpu.memory_space<vmem>>) target_semaphore(%run_scoped3A : memref<!tpu.dma_semaphore, #tpu.memory_space<semaphore_mem>>)
      %dma_wait3A_217 = tpu.memref_slice %arg4[%add3A_206] : memref<327680xi32, #tpu.memory_space<hbm>> -> memref<512xi32, #tpu.memory_space<hbm>>
      %dma_wait3A_218 = tpu.memref_slice %arg4[%add3A_206] : memref<327680xi32, #tpu.memory_space<hbm>> -> memref<512xi32, #tpu.memory_space<hbm>>
      tpu.wait_dma2 semaphore(%run_scoped3A : memref<!tpu.dma_semaphore, #tpu.memory_space<semaphore_mem>>) src(%dma_wait3A_218 : memref<512xi32, #tpu.memory_space<hbm>>) dst(%arg10 : memref<512xi32, #tpu.memory_space<vmem>>)
      tpu.yield
    }) : () -> ()
    %dma_start3A_209 = arith.constant 0 : i32
    %dma_start3A_210 = arith.constant 0 : i32
    %dma_start3A_211 = tpu.memref_slice %arg6[%dma_start3A_209, %dma_start3A_210] : memref<1000000x64xf32, #tpu.memory_space<hbm>> -> memref<1000000x64xf32, #tpu.memory_space<hbm>>
    tpu.enqueue_indirect_dma source(%dma_start3A_211 : memref<1000000x64xf32, #tpu.memory_space<hbm>>) target(%arg11 : memref<512x64xf32, #tpu.memory_space<vmem>>) offsets(%arg10 : memref<512xi32, #tpu.memory_space<vmem>>) semaphore(%arg12 : memref<!tpu.dma_semaphore, #tpu.memory_space<semaphore_mem>>)
    %dma_wait3A_212 = arith.constant 0 : i32
    %dma_wait3A_213 = arith.constant 0 : i32
    %dma_wait3A_214 = tpu.memref_slice %arg6[%dma_wait3A_212, %dma_wait3A_213] : memref<1000000x64xf32, #tpu.memory_space<hbm>> -> memref<1000000x64xf32, #tpu.memory_space<hbm>>
    tpu.wait_indirect_dma semaphore(%arg12 : memref<!tpu.dma_semaphore, #tpu.memory_space<semaphore_mem>>) src(%dma_wait3A_214 : memref<1000000x64xf32, #tpu.memory_space<hbm>>) dst(%arg11 : memref<512x64xf32, #tpu.memory_space<vmem>>)
    "tpu.region"() ({
      %run_scoped3A = tpu.sem_alloc : memref<!tpu.dma_semaphore, #tpu.memory_space<semaphore_mem>>
      %dma_start3A_215 = arith.constant 0 : i32
      %dma_start3A_216 = tpu.memref_slice %arg9[%add3A_208, %dma_start3A_215] : memref<327680x64xf32, #tpu.memory_space<hbm>> -> memref<512x64xf32, #tpu.memory_space<hbm>>
      %dma_start3A_217 = arith.constant 0 : i32
      %dma_start3A_218 = tpu.memref_slice %arg9[%add3A_208, %dma_start3A_217] : memref<327680x64xf32, #tpu.memory_space<hbm>> -> memref<512x64xf32, #tpu.memory_space<hbm>>
      tpu.enqueue_dma source(%arg11 : memref<512x64xf32, #tpu.memory_space<vmem>>) target(%dma_start3A_218 : memref<512x64xf32, #tpu.memory_space<hbm>>) target_semaphore(%run_scoped3A : memref<!tpu.dma_semaphore, #tpu.memory_space<semaphore_mem>>)
      %dma_wait3A_219 = arith.constant 0 : i32
      %dma_wait3A_220 = tpu.memref_slice %arg9[%add3A_208, %dma_wait3A_219] : memref<327680x64xf32, #tpu.memory_space<hbm>> -> memref<512x64xf32, #tpu.memory_space<hbm>>
      %dma_wait3A_221 = arith.constant 0 : i32
      %dma_wait3A_222 = tpu.memref_slice %arg9[%add3A_208, %dma_wait3A_221] : memref<327680x64xf32, #tpu.memory_space<hbm>> -> memref<512x64xf32, #tpu.memory_space<hbm>>
      tpu.wait_dma2 semaphore(%run_scoped3A : memref<!tpu.dma_semaphore, #tpu.memory_space<semaphore_mem>>) src(%arg11 : memref<512x64xf32, #tpu.memory_space<vmem>>) dst(%dma_wait3A_222 : memref<512x64xf32, #tpu.memory_space<hbm>>)
      tpu.yield
    }) : () -> ()
    return
  }
}

</mosaic_0001>

<sc_bundles>
// kernel: _run.3.cloned.1.call-start
scs
__scs_entry_jumppad:
0x0: {  	(pc) =	sbr.rel $0x88, $3  }
0x1: {  	(tag) =	ssettag $0x0;
	lr =	simm.s32 $0x1  }
0x2: {  	[smem:$0x3F9C] =	sst lr;
	_ =	strace $0xD0000000  }
0x3: {  	_ = 	snop  }
0x4: {  	_ = 	snop  }
0x5: {  	_ = 	snop  }
0x6: {  	_ = 	snop  }
0x7: {  	_ = 	snop  }
__scs_overlays_trampoline_lowered:
0x8: {  	[smem:$0x3FAB] =	sst s0  }
0x9: {  	[smem:$0x3FAC] =	sst s1  }
0xa: {  	[smem:$0x3FAD] =	sst s2  }
0xb: {  	[smem:$0x3FAE] =	sst s3  }
0xc: {  	[smem:$0x3FAF] =	sst s4  }
0xd: {  	[smem:$0x3FB0] =	sst s5  }
0xe: {  	[smem:$0x3FB1] =	sst s6  }
0xf: {  	[smem:$0x3FB2] =	sst s7  }
0x10: {  	[smem:$0x3FB3] =	sst s8  }
0x11: {  	[smem:$0x3FB4] =	sst s9;
	s0 =	simm.s32 @!p0 $0x0  }
0x12: {  	s1 =	sld [smem:$0x3F9A];
	s0 =	simm.s32 @p0 $0x1  }
0x13: {  	[smem:$0x3FB5] =	sst s0;
	s0 =	simm.s32 @!p1 $0x0  }
0x14: {  	s2 =	sld [smem:$0x3F99];
	s0 =	simm.s32 @p1 $0x1  }
0x15: {  	[smem:$0x3FB6] =	sst s0;
	s0 =	simm.s32 @!p2 $0x0  }
0x16: {  	s3 =	sld [smem:$0x3FDB];
	s0 =	simm.s32 @p2 $0x1  }
0x17: {  	s4 =	simm.s32 $0x1BF5;
	[smem:$0x3FB8] =	sst s0  }
0x18: {  	s0 =	sld [smem:$0x3F9B];
	_ =	swait.ge [sflag:s4], $0x0  }
0x19: {  	s7 =	sld [smem:$0x3F9C]  }
0x1a: {  	s8 =	sadd.s32 $0xFFFFE003, lr  }
0x1b: {  	s9 =	sadd.s32 $0xFFFFFEF7, lr;
	s5 =	simm.s32 $0xFFFFFFFF;
	p2 =	slt.u32 s8, $0xFFFFF086  }
0x1c: {  	p1 =	slt.u32 s9, $0xF7A;
	s5 =	simm.s32 @!p2 $0x0  }
0x1d: {  	s5 =	simm.s32 @p1 $0x1;
	p0 =	seq.s32 s7, s2  }
0x1e: {  	s7 =	smul.u32 @!p0 $0xF7A, s2;
	p2 =	seq.s32 @!p0 s5, $0x0  }
0x1f: {  	s9 =	smul.u32 $0xF7A, s1;
	s8 =	simm.s32 @!p0 $0x1BF5;
	p2 =	por !p2, p0  }
0x20: {  	[sflag:s8] =	ssyncset.s32 @!p0 $0xFFFFF086;
	s6 =	sadd.s32 @!p0 s3, s7;
	s7 =	simm.s32 @!p0 $0x108  }
0x21: {  	s3 =	sadd.s32 s3, s9;
	s6 =	sadd.s32 @!p0 $0x88, s6;
	s7 =	simm.s32 @p2 $0x1082  }
0x22: {  	[simem:s7], [sflag:s8] =	dma.local @!p0 [hbm:s6], $0xF7A  }
0x23: {  	s9 =	sor.u32 $0xD0000000, s2;
	s6 =	simm.s32 $0x108;
	_ =	swait.ge @!p0 [sflag:s8], $0x0  }
0x24: {  	s3 =	sadd.s32 $0x88, s3;
	s6 =	simm.s32 @!p1 $0x1082;
	[sflag:s4] =	ssyncset.s32 $0xFFFFF086  }
0x25: {  	[simem:s6], [sflag:s4] =	dma.local [hbm:s3], $0xF7A  }
0x26: {  	[smem:$0x3F9C] =	sst s1;
	(tag) =	ssettag s2;
	_ =	strace s9  }
0x27: {  	s1 =	sld [smem:$0x3FAC]  }
0x28: {  	s2 =	sld [smem:$0x3FAD]  }
0x29: {  	s4 =	sld [smem:$0x3FAF]  }
0x2a: {  	p0 =	seq.s32 s5, $0x0;
	s5 =	sld [smem:$0x3FB0]  }
0x2b: {  	s6 =	sld [smem:$0x3FB1]  }
0x2c: {  	s7 =	sld [smem:$0x3FB2]  }
0x2d: {  	s3 =	simm.s32 $0x108;
	s8 =	sld [smem:$0x3FB3]  }
0x2e: {  	s3 =	simm.s32 @!p0 $0x1082;
	s9 =	sld [smem:$0x3FB4]  }
0x2f: {  	lr =	sadd.s32 s0, s3;
	s0 =	sld [smem:$0x3FAB]  }
0x30: {  	s3 =	sld [smem:$0x3FAE]  }
0x31: {  	[smem:$0x3FB7] =	sst s10  }
0x32: {  	s10 =	sld [smem:$0x3FB5];
	_ =	sdelay $0x3  }
0x33: {  	p0 =	seq.s32 s10, $0x1;
	s10 =	sld [smem:$0x3FB7];
	_ =	sdelay $0x3  }
0x34: {  	[smem:$0x3FB7] =	sst s10  }
0x35: {  	s10 =	sld [smem:$0x3FB6];
	_ =	sdelay $0x3  }
0x36: {  	p1 =	seq.s32 s10, $0x1;
	s10 =	sld [smem:$0x3FB7];
	_ =	sdelay $0x3  }
0x37: {  	[smem:$0x3FB7] =	sst s10  }
0x38: {  	s10 =	sld [smem:$0x3FB8]  }
0x39: {  	_ = 	snop;
	(pc) =	sbr.ind lr, $3  }
0x3a: {  	_ = 	snop  }
0x3b: {  	_ = 	snop  }
0x3c: {  	p2 =	seq.s32 s10, $0x1;
	s10 =	sld [smem:$0x3FB7]  }
0x3d: {  	_ =	shalt  }
0x3e: {  	_ =	shalt  }
0x3f: {  	_ =	shalt  }
0x40: {  	_ =	shalt  }
0x41: {  	_ =	shalt  }
0x42: {  	_ =	shalt  }
0x43: {  	_ =	shalt  }
0x44: {  	_ =	shalt  }
0x45: {  	_ =	shalt  }
0x46: {  	_ =	shalt  }
0x47: {  	_ =	shalt  }
0x48: {  	_ =	shalt  }
0x49: {  	_ =	shalt  }
0x4a: {  	_ =	shalt  }
0x4b: {  	_ =	shalt  }
0x4c: {  	_ =	shalt  }
0x4d: {  	_ =	shalt  }
0x4e: {  	_ =	shalt  }
0x4f: {  	_ =	shalt  }
0x50: {  	_ =	shalt  }
0x51: {  	_ =	shalt  }
0x52: {  	_ =	shalt  }
0x53: {  	_ =	shalt  }
0x54: {  	_ =	shalt  }
0x55: {  	_ =	shalt  }
0x56: {  	_ =	shalt  }
0x57: {  	_ =	shalt  }
0x58: {  	_ =	shalt  }
0x59: {  	_ =	shalt  }
0x5a: {  	_ =	shalt  }
0x5b: {  	_ =	shalt  }
0x5c: {  	_ =	shalt  }
0x5d: {  	_ =	shalt  }
0x5e: {  	_ =	shalt  }
0x5f: {  	_ =	shalt  }
0x60: {  	_ =	shalt  }
0x61: {  	_ =	shalt  }
0x62: {  	_ =	shalt  }
0x63: {  	_ =	shalt  }
0x64: {  	_ =	shalt  }
0x65: {  	_ =	shalt  }
0x66: {  	_ =	shalt  }
0x67: {  	_ =	shalt  }
0x68: {  	_ =	shalt  }
0x69: {  	_ =	shalt  }
0x6a: {  	_ =	shalt  }
0x6b: {  	_ =	shalt  }
0x6c: {  	_ =	shalt  }
0x6d: {  	_ =	shalt  }
0x6e: {  	_ =	shalt  }
0x6f: {  	_ =	shalt  }
0x70: {  	_ =	shalt  }
0x71: {  	_ =	shalt  }
0x72: {  	_ =	shalt  }
0x73: {  	_ =	shalt  }
0x74: {  	_ =	shalt  }
0x75: {  	_ =	shalt  }
0x76: {  	_ =	shalt  }
0x77: {  	_ =	shalt  }
0x78: {  	_ =	shalt  }
0x79: {  	_ =	shalt  }
0x7a: {  	_ =	shalt  }
0x7b: {  	_ =	shalt  }
0x7c: {  	_ =	shalt  }
0x7d: {  	_ =	shalt  }
0x7e: {  	_ =	shalt  }
0x7f: {  	_ =	shalt  }
0x80: {  	_ =	shalt  }
0x81: {  	_ =	shalt  }
0x82: {  	_ =	shalt  }
0x83: {  	_ =	shalt  }
0x84: {  	_ =	shalt  }
0x85: {  	_ =	shalt  }
0x86: {  	_ =	shalt  }
0x87: {  	_ =	shalt  }
.Lfunc_end0:
.L_simem_size_0:
called_computation.1_lowered:
.L_overlay_start_0:
0x88: {  	s2 =	sld [smem:$0x3FD9]  }
0x89: {  	s3 =	sld [smem:$0x3FFE];
	_ =	sdelay $0x1  }
0x8a: {  	s1 =	srdreg.scid  }
0x8b: {  	s0 =	sand.u32 $0x1, s1  }
0x8c: {  	s14 =	sshll.u32 s0, $0xA;
	s2 =	sadd.s32 s3, s2  }
0x8d: {  	s2 =	sadd.s32 s2, s14  }
0x8e: {  	[smem:$0x3FC3] =	sst s2  }
0x8f: {  	_ = 	snop  }
0x90: {  	s2 =	sld [smem:$0x3FD0]  }
0x91: {  	s15 =	sld [smem:$0x3FC9]  }
0x92: {  	s4 =	sld [smem:$0x3FC8]  }
0x93: {  	s6 =	simm.s32 $0xA;
	s7 =	simm.s32 $0x10;
	s5 =	sld [smem:$0x3FC7]  }
0x94: {  	[smem:s7], [sflag:s6] =	dma.local [hbm:s2], $0x1  }
0x95: {  	_ =	swait.eq [sflag:s6], $0x1  }
0x96: {  	s16 =	sld [smem:$0x10];
	[sflag:s6] =	ssyncset.done $0x0  }
0x97: {  	s17 =	sld [smem:$0x11];
	[sflag:s6] =	ssyncadd.s32 $0xFFFFFFFF  }
0x98: {  	s18 =	sld [smem:$0x12];
	(tm) =	ssettm $0x1  }
0x99: {  	s8 =	sld [smem:$0x3FFB];
	_ =	sdelay $0x3  }
0x9a: {  	_ =	strace s8  }
0x9b: {  	s8 =	sld [smem:$0x3FFC];
	_ =	sdelay $0x3  }
0x9c: {  	_ =	strace s8  }
0x9d: {  	s8 =	sld [smem:$0x3FFD];
	_ =	sdelay $0x3  }
0x9e: {  	_ =	strace s8  }
0x9f: {  	_ =	strace $0x8FFFFFFF  }
0xa0: {  	s19 =	sld [smem:$0x3FDB];
	_ =	sdelay $0x1  }
0xa1: {  	s9 =	simm.s32 $_scs_section_size  }
0xa2: {  	s10 =	simm.s32 $_size__tile_overlayer_lowered;
	s11 =	simm.s32 $_tile_overlayer_lowered  }
0xa3: {  	s22 =	simm.s32 $0x1BFF;
	s21 =	sshll.u32 s11, $0x1;
	s8 =	sadd.s32 s9, s19  }
0xa4: {  	s12 =	simm.s32 $0x0;
	s20 =	sshll.u32 s10, $0x1;
	s10 =	sadd.s32 s21, s8  }
0xa5: {  	[timem:s12], [sflag:s22] =	dma.local [hbm:s10], s20  }
0xa6: {  	_ =	swait.ge [sflag:s22], s20  }
0xa7: {  	s9 =	ssub.s32 $0x0, s20;
	[sflag:s22] =	ssyncset.done $0x0  }
0xa8: {  	[sflag:s22] =	ssyncadd.s32 s9;
	_ =	sdelay $0x1  }
0xa9: {  	s23 =	simm.s32 $0x1B8B  }
0xaa: {  	_ =	swait.ge [sflag:s23], $0x1  }
0xab: {  	[sflag:s23] =	ssyncset.done $0x0  }
0xac: {  	s25 =	simm.s32 $0x1B8E;
	s24 =	sld [smem:$0x3FFE];
	[sflag:s23] =	ssyncadd.s32 $0xFFFFFFFF  }
0xad: {  	s26 =	simm.s32 $execute0_lowered;
	[smem:$0x3FD2] =	sst s25  }
0xae: {  	s10 =	sshll.u32 s26, $0x1;
	_ =	strace $0x80000046;
	[dreg:$0x1] =	wrdreg $0xFFFFFFFF  }
0xaf: {  	s28 =	simm.s32 $_size_execute0_lowered;
	s8 =	sadd.s32 s8, s10;
	[dreg:$0x0] =	wrdreg $0x0  }
0xb0: {  	s10 =	sshll.u32 s28, $0x1;
	[dreg:$0x2] =	wrdreg s8  }
0xb1: {  	[dreg:$0x3] =	wrdreg s10  }
0xb2: {  	[dreg:$0x4] =	wrdreg $0xC0  }
0xb3: {  	_ =	task [dreg:s12], $0x5FFFF  }
0xb4: {  	[dreg:$0x1] =	wrdreg $0xFFFFFFFF  }
0xb5: {  	[dreg:$0x0] =	wrdreg $0x60  }
0xb6: {  	[dreg:$0x2] =	wrdreg s15  }
0xb7: {  	[dreg:$0x3] =	wrdreg s4  }
0xb8: {  	[dreg:$0x4] =	wrdreg s5  }
0xb9: {  	[dreg:$0x5] =	wrdreg s24  }
0xba: {  	[dreg:$0x6] =	wrdreg s16  }
0xbb: {  	[dreg:$0x7] =	wrdreg s17  }
0xbc: {  	[dreg:$0x8] =	wrdreg s18  }
0xbd: {  	[dreg:$0x9] =	wrdreg $0x9  }
0xbe: {  	_ =	task.clear_ibuf [dreg:s12], $0xAFFFF;
	_ =	strace $0x90000046  }
0xbf: {  	s29 =	simm.s32 $0x9;
	_ =	strace $0x80000048  }
0xc0: {  	_ =	swait.ge [sflag:s29], $0x1  }
0xc1: {  	[sflag:s29] =	ssyncadd.s32 $0xFFFFFFFF  }
0xc2: {  	_ =	strace $0x90000048  }
0xc3: {  	_ =	sfence  }
0xc4: {  	s30 =	sld [smem:$0x0];
	_ =	sdelay $0x2  }
0xc5: {  	s31 =	sshll.u32 s1, $0xD;
	s1 =	sshrl.u32 s1, $0x2  }
0xc6: {  	s3 =	sand.u32 $0x4000, s31;
	s1 =	sadd.s32 s1, s30  }
0xc7: {  	s0 =	sor.u32 s3, s0;
	s1 =	sshll.u32 s1, $0x11  }
0xc8: {  	s0 =	sor.u32 s1, s0  }
0xc9: {  	s0 =	sadd.s32 $0x8F2B, s0  }
0xca: {  	[sflag:s0] =	ssyncadd.remote.s32 $0x1  }
0xcb: {  	_ =	sfence.sel $0xFFFF  }
0xcc: {  	[dreg:$0x0] =	wrdreg $0xFFFFFFFF;
	(pc) =	sbr.abs _section_cstart, $3  }
0xcd: {  	[dreg:$0x1] =	wrdreg $0xFFFFFFFF  }
0xce: {  	_ =	task.clear_ibuf [dreg:s12], $0x2FFFF;
	_ =	strace $0x9FFFFFFF  }
0xcf: {  	(tm) =	ssettm $0x7FFFFFFF  }
tec
execute0_lowered:
.L_overlay_start_1:
0x0: {  	(tag) =	ssettag $0x1  }
0x1: {  	s1 =	rddreg [dreg:$0x0]  }
0x2: {  	s3 =	rddreg [dreg:$0x1]  }
0x3: {  	s30 =	rddreg [dreg:$0x2]  }
0x4: {  	s6 =	rddreg [dreg:$0x3]  }
0x5: {  	s4 =	rddreg [dreg:$0x4]  }
0x6: {  	s5 =	rddreg [dreg:$0x5]  }
0x7: {  	s13 =	rddreg [dreg:$0x6]  }
0x8: {  	s7 =	srdreg.scid;
	s0 =	stileid.u32  }
0x9: {  	s2 =	simm.s32 $0x0;
	s8 =	sand.u32 $0x1, s7;
	s20 =	sshll.u32 s0, $0x1  }
0xa: {  	[smem:$0x7FF] =	sst s2;
	s7 =	sor.u32 s8, s20  }
0xb: {  	s21 =	sadd.s32 $0xF43400, s6;
	_ =	strace $0x80000047;
	s9 =	sshll.u32 s7, $0x6  }
0xc: {  	[dreg:$0x8] =	wrdreg s21;
	s22 =	sshll.u32 s7, $0xC;
	s1 =	sadd.s32 s1, s9  }
0xd: {  	s23 =	sadd.s32 s4, s22;
	[dreg:$0x9] =	wrdreg s1  }
0xe: {  	s26 =	smul.u32 $0x14000, s7;
	s3 =	sadd.s32 s3, s9;
	[dreg:$0xa] =	wrdreg s23  }
0xf: {  	s24 =	sadd.s32 s5, s22;
	s1 =	smul.u32 $0x2800, s7;
	[dreg:$0xb] =	wrdreg s3  }
0x10: {  	s0 =	smov.u32 s8;
	[dreg:$0xc] =	wrdreg s24;
	s5 =	sadd.s32 s13, s26  }
0x11: {  	[dreg:$0xe] =	wrdreg s5;
	s25 =	sshrl.u32 s1, $0x3;
	s7 =	sor.u32 $0x200, s1  }
0x12: {  	s9 =	sor.u32 $0x400, s1;
	s16 =	sor.u32 $0x600, s1;
	s18 =	sadd.s32 $0x800, s1  }
0x13: {  	s24 =	sadd.s32 $0xA00, s1;
	s4 =	sadd.s32 s30, s25;
	s8 =	sshrl.u32 s7, $0x3  }
0x14: {  	s11 =	sshrl.u32 s9, $0x3;
	s14 =	sshll.u32 s9, $0x3;
	[dreg:$0xd] =	wrdreg s4  }
0x15: {  	s3 =	sadd.s32 s30, s8;
	s15 =	sadd.s32 s13, s14;
	s14 =	rddreg [dreg:$0x9]  }
0x16: {  	s26 =	sadd.s32 $0xC00, s1;
	s12 =	sadd.s32 s30, s11;
	[dreg:$0xf] =	wrdreg s3  }
0x17: {  	s17 =	sshrl.u32 s16, $0x3;
	s20 =	sshrl.u32 s18, $0x3;
	[dreg:$0x11] =	wrdreg s12  }
0x18: {  	s22 =	sshll.u32 s18, $0x3;
	s21 =	sadd.s32 s30, s20;
	[dreg:$0x12] =	wrdreg s15  }
0x19: {  	s4 =	sshll.u32 s7, $0x3;
	s23 =	sadd.s32 s13, s22;
	[dreg:$0x15] =	wrdreg s21  }
0x1a: {  	s25 =	sshrl.u32 s24, $0x3;
	s10 =	sadd.s32 s13, s4;
	[dreg:$0x16] =	wrdreg s23  }
0x1b: {  	[tilespmem:s2], [sflag:$0x2] =	stream.linear.gather [hbm4b:s14+s2], $0x200, $0x38;
	[tilespmem:$0x8200] =	vst v63  }
0x1c: {  	s7 =	sshrl.u32 s26, $0x3;
	s3 =	sadd.s32 s30, s17;
	[dreg:$0x10] =	wrdreg s10  }
0x1d: {  	s4 =	sshll.u32 s16, $0x3;
	s8 =	sadd.s32 s30, s7;
	[dreg:$0x13] =	wrdreg s3  }
0x1e: {  	s9 =	sshll.u32 s26, $0x3;
	s19 =	sadd.s32 s13, s4;
	[dreg:$0x19] =	wrdreg s8  }
0x1f: {  	s11 =	sadd.s32 $0xE00, s1;
	s3 =	sadd.s32 s30, s25;
	[dreg:$0x14] =	wrdreg s19  }
0x20: {  	s4 =	sshll.u32 s24, $0x3;
	s10 =	sadd.s32 s13, s9;
	[dreg:$0x17] =	wrdreg s3  }
0x21: {  	s12 =	sshrl.u32 s11, $0x3;
	s4 =	sadd.s32 s13, s4;
	[dreg:$0x1a] =	wrdreg s10  }
0x22: {  	s3 =	sadd.s32 s30, s12;
	[dreg:$0x18] =	wrdreg s4;
	s4 =	sshll.u32 s11, $0x3  }
0x23: {  	[dreg:$0x1b] =	wrdreg s3;
	s15 =	sadd.s32 s13, s4  }
0x24: {  	s3 =	simm.s32 $0x2;
	[dreg:$0x1c] =	wrdreg s15  }
0x25: {  	_ =	swait.ge [sflag:s3], $0x200  }
0x26: {  	s5 =	simm.s32 $0x1;
	[sflag:s3] =	ssyncset.done $0x0  }
0x27: {  	s4 =	simm.s32 $0x200;
	s16 =	rddreg [dreg:$0x8];
	[sflag:s3] =	ssyncadd.s32 $0xFFFFFE00  }
0x28: {  	[tilespmem:s4], [sflag:$0x1] =	stream.indirect.gather [hbm4b:s16+s4], $0x40, s2, s4, $0xb8;
	[tilespmem:$0x8200] =	vst v63  }
0x29: {  	_ =	swait.ge [sflag:s5], $0x8000  }
0x2a: {  	[sflag:s5] =	ssyncset.done $0x0  }
0x2b: {  	s17 =	rddreg [dreg:$0xa];
	[sflag:s5] =	ssyncadd.s32 $0xFFFF8000  }
0x2c: {  	[hbm4b:s17+s2] =	stream.linear.scatter [tilespmem:s4], [sflag:$0x2], $0x8000, $0x38;
	[tilespmem:$0x8200] =	vst v63  }
0x2d: {  	_ =	swait.ge [sflag:s3], $0x8000  }
0x2e: {  	[sflag:s3] =	ssyncset.done $0x0  }
0x2f: {  	s18 =	rddreg [dreg:$0xb];
	[sflag:s3] =	ssyncadd.s32 $0xFFFF8000  }
0x30: {  	[tilespmem:s2], [sflag:$0x2] =	stream.linear.gather [hbm4b:s18+s2], $0x200, $0x38;
	[tilespmem:$0x8200] =	vst v63  }
0x31: {  	_ =	swait.ge [sflag:s3], $0x200  }
0x32: {  	[sflag:s3] =	ssyncset.done $0x0  }
0x33: {  	s6 =	sadd.s32 $0x16E4600, s6;
	[sflag:s3] =	ssyncadd.s32 $0xFFFFFE00  }
0x34: {  	[tilespmem:s4], [sflag:$0x1] =	stream.indirect.gather [hbm4b:s6+s4], $0x40, s2, s4, $0xb8;
	[tilespmem:$0x8200] =	vst v63  }
0x35: {  	_ =	swait.ge [sflag:s5], $0x8000  }
0x36: {  	[sflag:s5] =	ssyncset.done $0x0  }
0x37: {  	s19 =	rddreg [dreg:$0xc];
	[sflag:s5] =	ssyncadd.s32 $0xFFFF8000  }
0x38: {  	[hbm4b:s19+s2] =	stream.linear.scatter [tilespmem:s4], [sflag:$0x2], $0x8000, $0x38;
	[tilespmem:$0x8200] =	vst v63  }
0x39: {  	_ =	swait.ge [sflag:s3], $0x8000  }
0x3a: {  	[sflag:s3] =	ssyncset.done $0x0  }
0x3b: {  	s20 =	rddreg [dreg:$0xd];
	[sflag:s3] =	ssyncadd.s32 $0xFFFF8000  }
0x3c: {  	[tilespmem:s2], [sflag:$0x2] =	stream.linear.gather [hbm4b:s20+s2], $0x200, $0x38;
	[tilespmem:$0x8200] =	vst v63  }
0x3d: {  	_ =	swait.ge [sflag:s3], $0x200  }
0x3e: {  	[sflag:s3] =	ssyncset.done $0x0  }
0x3f: {  	[sflag:s3] =	ssyncadd.s32 $0xFFFFFE00  }
0x40: {  	[tilespmem:s4], [sflag:$0x1] =	stream.indirect.gather [hbm4b:s6+s4], $0x40, s2, s4, $0xb8;
	[tilespmem:$0x8200] =	vst v63  }
0x41: {  	_ =	swait.ge [sflag:s5], $0x8000  }
0x42: {  	[sflag:s5] =	ssyncset.done $0x0  }
0x43: {  	s21 =	rddreg [dreg:$0xe];
	[sflag:s5] =	ssyncadd.s32 $0xFFFF8000  }
0x44: {  	[hbm4b:s21+s2] =	stream.linear.scatter [tilespmem:s4], [sflag:$0x2], $0x8000, $0x38;
	[tilespmem:$0x8200] =	vst v63  }
0x45: {  	_ =	swait.ge [sflag:s3], $0x8000  }
0x46: {  	[sflag:s3] =	ssyncset.done $0x0  }
0x47: {  	s22 =	rddreg [dreg:$0xf];
	[sflag:s3] =	ssyncadd.s32 $0xFFFF8000  }
0x48: {  	[tilespmem:s2], [sflag:$0x2] =	stream.linear.gather [hbm4b:s22+s2], $0x200, $0x38;
	[tilespmem:$0x8200] =	vst v63  }
0x49: {  	_ =	swait.ge [sflag:s3], $0x200  }
0x4a: {  	[sflag:s3] =	ssyncset.done $0x0  }
0x4b: {  	[sflag:s3] =	ssyncadd.s32 $0xFFFFFE00  }
0x4c: {  	[tilespmem:s4], [sflag:$0x1] =	stream.indirect.gather [hbm4b:s6+s4], $0x40, s2, s4, $0xb8;
	[tilespmem:$0x8200] =	vst v63  }
0x4d: {  	_ =	swait.ge [sflag:s5], $0x8000  }
0x4e: {  	[sflag:s5] =	ssyncset.done $0x0  }
0x4f: {  	s23 =	rddreg [dreg:$0x10];
	[sflag:s5] =	ssyncadd.s32 $0xFFFF8000  }
0x50: {  	[hbm4b:s23+s2] =	stream.linear.scatter [tilespmem:s4], [sflag:$0x2], $0x8000, $0x38;
	[tilespmem:$0x8200] =	vst v63  }
0x51: {  	_ =	swait.ge [sflag:s3], $0x8000  }
0x52: {  	[sflag:s3] =	ssyncset.done $0x0  }
0x53: {  	s24 =	rddreg [dreg:$0x11];
	[sflag:s3] =	ssyncadd.s32 $0xFFFF8000  }
0x54: {  	[tilespmem:s2], [sflag:$0x2] =	stream.linear.gather [hbm4b:s24+s2], $0x200, $0x38;
	[tilespmem:$0x8200] =	vst v63  }
0x55: {  	_ =	swait.ge [sflag:s3], $0x200  }
0x56: {  	[sflag:s3] =	ssyncset.done $0x0  }
0x57: {  	[sflag:s3] =	ssyncadd.s32 $0xFFFFFE00  }
0x58: {  	[tilespmem:s4], [sflag:$0x1] =	stream.indirect.gather [hbm4b:s6+s4], $0x40, s2, s4, $0xb8;
	[tilespmem:$0x8200] =	vst v63  }
0x59: {  	_ =	swait.ge [sflag:s5], $0x8000  }
0x5a: {  	[sflag:s5] =	ssyncset.done $0x0  }
0x5b: {  	s25 =	rddreg [dreg:$0x12];
	[sflag:s5] =	ssyncadd.s32 $0xFFFF8000  }
0x5c: {  	[hbm4b:s25+s2] =	stream.linear.scatter [tilespmem:s4], [sflag:$0x2], $0x8000, $0x38;
	[tilespmem:$0x8200] =	vst v63  }
0x5d: {  	_ =	swait.ge [sflag:s3], $0x8000  }
0x5e: {  	[sflag:s3] =	ssyncset.done $0x0  }
0x5f: {  	s26 =	rddreg [dreg:$0x13];
	[sflag:s3] =	ssyncadd.s32 $0xFFFF8000  }
0x60: {  	[tilespmem:s2], [sflag:$0x2] =	stream.linear.gather [hbm4b:s26+s2], $0x200, $0x38;
	[tilespmem:$0x8200] =	vst v63  }
0x61: {  	_ =	swait.ge [sflag:s3], $0x200  }
0x62: {  	[sflag:s3] =	ssyncset.done $0x0  }
0x63: {  	[sflag:s3] =	ssyncadd.s32 $0xFFFFFE00  }
0x64: {  	[tilespmem:s4], [sflag:$0x1] =	stream.indirect.gather [hbm4b:s6+s4], $0x40, s2, s4, $0xb8;
	[tilespmem:$0x8200] =	vst v63  }
0x65: {  	_ =	swait.ge [sflag:s5], $0x8000  }
0x66: {  	[sflag:s5] =	ssyncset.done $0x0  }
0x67: {  	s8 =	rddreg [dreg:$0x14];
	[sflag:s5] =	ssyncadd.s32 $0xFFFF8000  }
0x68: {  	[hbm4b:s8+s2] =	stream.linear.scatter [tilespmem:s4], [sflag:$0x2], $0x8000, $0x38;
	[tilespmem:$0x8200] =	vst v63  }
0x69: {  	_ =	swait.ge [sflag:s3], $0x8000  }
0x6a: {  	[sflag:s3] =	ssyncset.done $0x0  }
0x6b: {  	s9 =	rddreg [dreg:$0x15];
	[sflag:s3] =	ssyncadd.s32 $0xFFFF8000  }
0x6c: {  	[tilespmem:s2], [sflag:$0x2] =	stream.linear.gather [hbm4b:s9+s2], $0x200, $0x38;
	[tilespmem:$0x8200] =	vst v63  }
0x6d: {  	_ =	swait.ge [sflag:s3], $0x200  }
0x6e: {  	[sflag:s3] =	ssyncset.done $0x0  }
0x6f: {  	[sflag:s3] =	ssyncadd.s32 $0xFFFFFE00  }
0x70: {  	[tilespmem:s4], [sflag:$0x1] =	stream.indirect.gather [hbm4b:s6+s4], $0x40, s2, s4, $0xb8;
	[tilespmem:$0x8200] =	vst v63  }
0x71: {  	_ =	swait.ge [sflag:s5], $0x8000  }
0x72: {  	[sflag:s5] =	ssyncset.done $0x0  }
0x73: {  	s10 =	rddreg [dreg:$0x16];
	[sflag:s5] =	ssyncadd.s32 $0xFFFF8000  }
0x74: {  	[hbm4b:s10+s2] =	stream.linear.scatter [tilespmem:s4], [sflag:$0x2], $0x8000, $0x38;
	[tilespmem:$0x8200] =	vst v63  }
0x75: {  	_ =	swait.ge [sflag:s3], $0x8000  }
0x76: {  	[sflag:s3] =	ssyncset.done $0x0  }
0x77: {  	s11 =	rddreg [dreg:$0x17];
	[sflag:s3] =	ssyncadd.s32 $0xFFFF8000  }
0x78: {  	[tilespmem:s2], [sflag:$0x2] =	stream.linear.gather [hbm4b:s11+s2], $0x200, $0x38;
	[tilespmem:$0x8200] =	vst v63  }
0x79: {  	_ =	swait.ge [sflag:s3], $0x200  }
0x7a: {  	[sflag:s3] =	ssyncset.done $0x0  }
0x7b: {  	[sflag:s3] =	ssyncadd.s32 $0xFFFFFE00  }
0x7c: {  	[tilespmem:s4], [sflag:$0x1] =	stream.indirect.gather [hbm4b:s6+s4], $0x40, s2, s4, $0xb8;
	[tilespmem:$0x8200] =	vst v63  }
0x7d: {  	_ =	swait.ge [sflag:s5], $0x8000  }
0x7e: {  	[sflag:s5] =	ssyncset.done $0x0  }
0x7f: {  	s12 =	rddreg [dreg:$0x18];
	[sflag:s5] =	ssyncadd.s32 $0xFFFF8000  }
0x80: {  	[hbm4b:s12+s2] =	stream.linear.scatter [tilespmem:s4], [sflag:$0x2], $0x8000, $0x38;
	[tilespmem:$0x8200] =	vst v63  }
0x81: {  	_ =	swait.ge [sflag:s3], $0x8000  }
0x82: {  	[sflag:s3] =	ssyncset.done $0x0  }
0x83: {  	s14 =	rddreg [dreg:$0x19];
	[sflag:s3] =	ssyncadd.s32 $0xFFFF8000  }
0x84: {  	[tilespmem:s2], [sflag:$0x2] =	stream.linear.gather [hbm4b:s14+s2], $0x200, $0x38;
	[tilespmem:$0x8200] =	vst v63  }
0x85: {  	_ =	swait.ge [sflag:s3], $0x200  }
0x86: {  	[sflag:s3] =	ssyncset.done $0x0  }
0x87: {  	[sflag:s3] =	ssyncadd.s32 $0xFFFFFE00  }
0x88: {  	[tilespmem:s4], [sflag:$0x1] =	stream.indirect.gather [hbm4b:s6+s4], $0x40, s2, s4, $0xb8;
	[tilespmem:$0x8200] =	vst v63  }
0x89: {  	_ =	swait.ge [sflag:s5], $0x8000  }
0x8a: {  	[sflag:s5] =	ssyncset.done $0x0  }
0x8b: {  	s15 =	rddreg [dreg:$0x1a];
	[sflag:s5] =	ssyncadd.s32 $0xFFFF8000  }
0x8c: {  	[hbm4b:s15+s2] =	stream.linear.scatter [tilespmem:s4], [sflag:$0x2], $0x8000, $0x38;
	[tilespmem:$0x8200] =	vst v63  }
0x8d: {  	_ =	swait.ge [sflag:s3], $0x8000  }
0x8e: {  	[sflag:s3] =	ssyncset.done $0x0  }
0x8f: {  	s16 =	rddreg [dreg:$0x1b];
	[sflag:s3] =	ssyncadd.s32 $0xFFFF8000  }
0x90: {  	[tilespmem:s2], [sflag:$0x2] =	stream.linear.gather [hbm4b:s16+s2], $0x200, $0x38;
	[tilespmem:$0x8200] =	vst v63  }
0x91: {  	_ =	swait.ge [sflag:s3], $0x200  }
0x92: {  	[sflag:s3] =	ssyncset.done $0x0  }
0x93: {  	[sflag:s3] =	ssyncadd.s32 $0xFFFFFE00  }
0x94: {  	[tilespmem:s4], [sflag:$0x1] =	stream.indirect.gather [hbm4b:s6+s4], $0x40, s2, s4, $0xb8;
	[tilespmem:$0x8200] =	vst v63  }
0x95: {  	_ =	swait.ge [sflag:s5], $0x8000  }
0x96: {  	[sflag:s5] =	ssyncset.done $0x0  }
0x97: {  	s17 =	rddreg [dreg:$0x1c];
	[sflag:s5] =	ssyncadd.s32 $0xFFFF8000  }
0x98: {  	[hbm4b:s17+s2] =	stream.linear.scatter [tilespmem:s4], [sflag:$0x2], $0x8000, $0x38;
	[tilespmem:$0x8200] =	vst v63  }
0x99: {  	s18 =	sadd.s32 $0x1000, s1;
	_ =	swait.ge [sflag:s3], $0x8000  }
0x9a: {  	s19 =	sshrl.u32 s18, $0x3;
	[sflag:s3] =	ssyncset.done $0x0  }
0x9b: {  	s7 =	sadd.s32 s30, s19;
	[sflag:s3] =	ssyncadd.s32 $0xFFFF8000  }
0x9c: {  	[tilespmem:s2], [sflag:$0x2] =	stream.linear.gather [hbm4b:s7+s2], $0x200, $0x38;
	[tilespmem:$0x8200] =	vst v63  }
0x9d: {  	_ =	swait.ge [sflag:s3], $0x200  }
0x9e: {  	[sflag:s3] =	ssyncset.done $0x0  }
0x9f: {  	[sflag:s3] =	ssyncadd.s32 $0xFFFFFE00  }
0xa0: {  	[tilespmem:s4], [sflag:$0x1] =	stream.indirect.gather [hbm4b:s6+s4], $0x40, s2, s4, $0xb8;
	[tilespmem:$0x8200] =	vst v63  }
0xa1: {  	_ =	swait.ge [sflag:s5], $0x8000  }
0xa2: {  	s8 =	sshll.u32 s18, $0x3;
	[sflag:s5] =	ssyncset.done $0x0  }
0xa3: {  	s8 =	sadd.s32 s13, s8;
	[sflag:s5] =	ssyncadd.s32 $0xFFFF8000  }
0xa4: {  	[hbm4b:s8+s2] =	stream.linear.scatter [tilespmem:s4], [sflag:$0x2], $0x8000, $0x38;
	[tilespmem:$0x8200] =	vst v63  }
0xa5: {  	s10 =	sadd.s32 $0x1200, s1;
	_ =	swait.ge [sflag:s3], $0x8000  }
0xa6: {  	s20 =	sshrl.u32 s10, $0x3;
	[sflag:s3] =	ssyncset.done $0x0  }
0xa7: {  	s9 =	sadd.s32 s30, s20;
	[sflag:s3] =	ssyncadd.s32 $0xFFFF8000  }
0xa8: {  	[tilespmem:s2], [sflag:$0x2] =	stream.linear.gather [hbm4b:s9+s2], $0x200, $0x38;
	[tilespmem:$0x8200] =	vst v63  }
0xa9: {  	_ =	swait.ge [sflag:s3], $0x200  }
0xaa: {  	[sflag:s3] =	ssyncset.done $0x0  }
0xab: {  	[sflag:s3] =	ssyncadd.s32 $0xFFFFFE00  }
0xac: {  	[tilespmem:s4], [sflag:$0x1] =	stream.indirect.gather [hbm4b:s6+s4], $0x40, s2, s4, $0xb8;
	[tilespmem:$0x8200] =	vst v63  }
0xad: {  	_ =	swait.ge [sflag:s5], $0x8000  }
0xae: {  	s10 =	sshll.u32 s10, $0x3;
	[sflag:s5] =	ssyncset.done $0x0  }
0xaf: {  	s10 =	sadd.s32 s13, s10;
	[sflag:s5] =	ssyncadd.s32 $0xFFFF8000  }
0xb0: {  	[hbm4b:s10+s2] =	stream.linear.scatter [tilespmem:s4], [sflag:$0x2], $0x8000, $0x38;
	[tilespmem:$0x8200] =	vst v63  }
0xb1: {  	s12 =	sadd.s32 $0x1400, s1;
	_ =	swait.ge [sflag:s3], $0x8000  }
0xb2: {  	s11 =	sshrl.u32 s12, $0x3;
	[sflag:s3] =	ssyncset.done $0x0  }
0xb3: {  	s11 =	sadd.s32 s30, s11;
	[sflag:s3] =	ssyncadd.s32 $0xFFFF8000  }
0xb4: {  	[tilespmem:s2], [sflag:$0x2] =	stream.linear.gather [hbm4b:s11+s2], $0x200, $0x38;
	[tilespmem:$0x8200] =	vst v63  }
0xb5: {  	_ =	swait.ge [sflag:s3], $0x200  }
0xb6: {  	[sflag:s3] =	ssyncset.done $0x0  }
0xb7: {  	[sflag:s3] =	ssyncadd.s32 $0xFFFFFE00  }
0xb8: {  	[tilespmem:s4], [sflag:$0x1] =	stream.indirect.gather [hbm4b:s6+s4], $0x40, s2, s4, $0xb8;
	[tilespmem:$0x8200] =	vst v63  }
0xb9: {  	_ =	swait.ge [sflag:s5], $0x8000  }
0xba: {  	s12 =	sshll.u32 s12, $0x3;
	[sflag:s5] =	ssyncset.done $0x0  }
0xbb: {  	s12 =	sadd.s32 s13, s12;
	[sflag:s5] =	ssyncadd.s32 $0xFFFF8000  }
0xbc: {  	[hbm4b:s12+s2] =	stream.linear.scatter [tilespmem:s4], [sflag:$0x2], $0x8000, $0x38;
	[tilespmem:$0x8200] =	vst v63  }
0xbd: {  	s14 =	sadd.s32 $0x1600, s1;
	_ =	swait.ge [sflag:s3], $0x8000  }
0xbe: {  	s21 =	sshrl.u32 s14, $0x3;
	[sflag:s3] =	ssyncset.done $0x0  }
0xbf: {  	s15 =	smov.u32 s13;
	s13 =	sadd.s32 s30, s21;
	[sflag:s3] =	ssyncadd.s32 $0xFFFF8000  }
0xc0: {  	[tilespmem:s2], [sflag:$0x2] =	stream.linear.gather [hbm4b:s13+s2], $0x200, $0x38;
	[tilespmem:$0x8200] =	vst v63  }
0xc1: {  	_ =	swait.ge [sflag:s3], $0x200  }
0xc2: {  	[sflag:s3] =	ssyncset.done $0x0  }
0xc3: {  	[sflag:s3] =	ssyncadd.s32 $0xFFFFFE00  }
0xc4: {  	[tilespmem:s4], [sflag:$0x1] =	stream.indirect.gather [hbm4b:s6+s4], $0x40, s2, s4, $0xb8;
	[tilespmem:$0x8200] =	vst v63  }
0xc5: {  	_ =	swait.ge [sflag:s5], $0x8000  }
0xc6: {  	s14 =	sshll.u32 s14, $0x3;
	[sflag:s5] =	ssyncset.done $0x0  }
0xc7: {  	s14 =	sadd.s32 s15, s14;
	[sflag:s5] =	ssyncadd.s32 $0xFFFF8000  }
0xc8: {  	[hbm4b:s14+s2] =	stream.linear.scatter [tilespmem:s4], [sflag:$0x2], $0x8000, $0x38;
	[tilespmem:$0x8200] =	vst v63  }
0xc9: {  	s16 =	sadd.s32 $0x1800, s1;
	_ =	swait.ge [sflag:s3], $0x8000  }
0xca: {  	s22 =	sshrl.u32 s16, $0x3;
	[sflag:s3] =	ssyncset.done $0x0  }
0xcb: {  	s17 =	smov.u32 s15;
	s15 =	sadd.s32 s30, s22;
	[sflag:s3] =	ssyncadd.s32 $0xFFFF8000  }
0xcc: {  	[tilespmem:s2], [sflag:$0x2] =	stream.linear.gather [hbm4b:s15+s2], $0x200, $0x38;
	[tilespmem:$0x8200] =	vst v63  }
0xcd: {  	_ =	swait.ge [sflag:s3], $0x200  }
0xce: {  	[sflag:s3] =	ssyncset.done $0x0  }
0xcf: {  	[sflag:s3] =	ssyncadd.s32 $0xFFFFFE00  }
0xd0: {  	[tilespmem:s4], [sflag:$0x1] =	stream.indirect.gather [hbm4b:s6+s4], $0x40, s2, s4, $0xb8;
	[tilespmem:$0x8200] =	vst v63  }
0xd1: {  	_ =	swait.ge [sflag:s5], $0x8000  }
0xd2: {  	s16 =	sshll.u32 s16, $0x3;
	[sflag:s5] =	ssyncset.done $0x0  }
0xd3: {  	s16 =	sadd.s32 s17, s16;
	[sflag:s5] =	ssyncadd.s32 $0xFFFF8000  }
0xd4: {  	[hbm4b:s16+s2] =	stream.linear.scatter [tilespmem:s4], [sflag:$0x2], $0x8000, $0x38;
	[tilespmem:$0x8200] =	vst v63  }
0xd5: {  	s18 =	sadd.s32 $0x1A00, s1;
	_ =	swait.ge [sflag:s3], $0x8000  }
0xd6: {  	s23 =	sshrl.u32 s18, $0x3;
	[sflag:s3] =	ssyncset.done $0x0  }
0xd7: {  	s19 =	smov.u32 s17;
	s17 =	sadd.s32 s30, s23;
	[sflag:s3] =	ssyncadd.s32 $0xFFFF8000  }
0xd8: {  	[tilespmem:s2], [sflag:$0x2] =	stream.linear.gather [hbm4b:s17+s2], $0x200, $0x38;
	[tilespmem:$0x8200] =	vst v63  }
0xd9: {  	_ =	swait.ge [sflag:s3], $0x200  }
0xda: {  	[sflag:s3] =	ssyncset.done $0x0  }
0xdb: {  	[sflag:s3] =	ssyncadd.s32 $0xFFFFFE00  }
0xdc: {  	[tilespmem:s4], [sflag:$0x1] =	stream.indirect.gather [hbm4b:s6+s4], $0x40, s2, s4, $0xb8;
	[tilespmem:$0x8200] =	vst v63  }
0xdd: {  	_ =	swait.ge [sflag:s5], $0x8000  }
0xde: {  	s18 =	sshll.u32 s18, $0x3;
	[sflag:s5] =	ssyncset.done $0x0  }
0xdf: {  	s18 =	sadd.s32 s19, s18;
	[sflag:s5] =	ssyncadd.s32 $0xFFFF8000  }
0xe0: {  	[hbm4b:s18+s2] =	stream.linear.scatter [tilespmem:s4], [sflag:$0x2], $0x8000, $0x38;
	[tilespmem:$0x8200] =	vst v63  }
0xe1: {  	s20 =	sadd.s32 $0x1C00, s1;
	_ =	swait.ge [sflag:s3], $0x8000  }
0xe2: {  	s24 =	sshrl.u32 s20, $0x3;
	[sflag:s3] =	ssyncset.done $0x0  }
0xe3: {  	s21 =	smov.u32 s19;
	s19 =	sadd.s32 s30, s24;
	[sflag:s3] =	ssyncadd.s32 $0xFFFF8000  }
0xe4: {  	[tilespmem:s2], [sflag:$0x2] =	stream.linear.gather [hbm4b:s19+s2], $0x200, $0x38;
	[tilespmem:$0x8200] =	vst v63  }
0xe5: {  	_ =	swait.ge [sflag:s3], $0x200  }
0xe6: {  	[sflag:s3] =	ssyncset.done $0x0  }
0xe7: {  	[sflag:s3] =	ssyncadd.s32 $0xFFFFFE00  }
0xe8: {  	[tilespmem:s4], [sflag:$0x1] =	stream.indirect.gather [hbm4b:s6+s4], $0x40, s2, s4, $0xb8;
	[tilespmem:$0x8200] =	vst v63  }
0xe9: {  	_ =	swait.ge [sflag:s5], $0x8000  }
0xea: {  	s20 =	sshll.u32 s20, $0x3;
	[sflag:s5] =	ssyncset.done $0x0  }
0xeb: {  	s20 =	sadd.s32 s21, s20;
	[sflag:s5] =	ssyncadd.s32 $0xFFFF8000  }
0xec: {  	[hbm4b:s20+s2] =	stream.linear.scatter [tilespmem:s4], [sflag:$0x2], $0x8000, $0x38;
	[tilespmem:$0x8200] =	vst v63  }
0xed: {  	s22 =	sadd.s32 $0x1E00, s1;
	_ =	swait.ge [sflag:s3], $0x8000  }
0xee: {  	s25 =	sshrl.u32 s22, $0x3;
	[sflag:s3] =	ssyncset.done $0x0  }
0xef: {  	s23 =	smov.u32 s21;
	s21 =	sadd.s32 s30, s25;
	[sflag:s3] =	ssyncadd.s32 $0xFFFF8000  }
0xf0: {  	[tilespmem:s2], [sflag:$0x2] =	stream.linear.gather [hbm4b:s21+s2], $0x200, $0x38;
	[tilespmem:$0x8200] =	vst v63  }
0xf1: {  	_ =	swait.ge [sflag:s3], $0x200  }
0xf2: {  	[sflag:s3] =	ssyncset.done $0x0  }
0xf3: {  	[sflag:s3] =	ssyncadd.s32 $0xFFFFFE00  }
0xf4: {  	[tilespmem:s4], [sflag:$0x1] =	stream.indirect.gather [hbm4b:s6+s4], $0x40, s2, s4, $0xb8;
	[tilespmem:$0x8200] =	vst v63  }
0xf5: {  	_ =	swait.ge [sflag:s5], $0x8000  }
0xf6: {  	s22 =	sshll.u32 s22, $0x3;
	[sflag:s5] =	ssyncset.done $0x0  }
0xf7: {  	s22 =	sadd.s32 s23, s22;
	[sflag:s5] =	ssyncadd.s32 $0xFFFF8000  }
0xf8: {  	[hbm4b:s22+s2] =	stream.linear.scatter [tilespmem:s4], [sflag:$0x2], $0x8000, $0x38;
	[tilespmem:$0x8200] =	vst v63  }
0xf9: {  	s24 =	sadd.s32 $0x2000, s1;
	_ =	swait.ge [sflag:s3], $0x8000  }
0xfa: {  	s26 =	sshrl.u32 s24, $0x3;
	[sflag:s3] =	ssyncset.done $0x0  }
0xfb: {  	s25 =	smov.u32 s23;
	s23 =	sadd.s32 s30, s26;
	[sflag:s3] =	ssyncadd.s32 $0xFFFF8000  }
0xfc: {  	[tilespmem:s2], [sflag:$0x2] =	stream.linear.gather [hbm4b:s23+s2], $0x200, $0x38;
	[tilespmem:$0x8200] =	vst v63  }
0xfd: {  	_ =	swait.ge [sflag:s3], $0x200  }
0xfe: {  	[sflag:s3] =	ssyncset.done $0x0  }
0xff: {  	[sflag:s3] =	ssyncadd.s32 $0xFFFFFE00  }
0x100: {  	[tilespmem:s4], [sflag:$0x1] =	stream.indirect.gather [hbm4b:s6+s4], $0x40, s2, s4, $0xb8;
	[tilespmem:$0x8200] =	vst v63  }
0x101: {  	_ =	swait.ge [sflag:s5], $0x8000  }
0x102: {  	s24 =	sshll.u32 s24, $0x3;
	[sflag:s5] =	ssyncset.done $0x0  }
0x103: {  	s24 =	sadd.s32 s25, s24;
	[sflag:s5] =	ssyncadd.s32 $0xFFFF8000  }
0x104: {  	[hbm4b:s24+s2] =	stream.linear.scatter [tilespmem:s4], [sflag:$0x2], $0x8000, $0x38;
	[tilespmem:$0x8200] =	vst v63  }
0x105: {  	s26 =	sadd.s32 $0x2200, s1;
	_ =	swait.ge [sflag:s3], $0x8000  }
0x106: {  	s28 =	smov.u32 s25;
	s25 =	sshrl.u32 s26, $0x3;
	[sflag:s3] =	ssyncset.done $0x0  }
0x107: {  	s25 =	sadd.s32 s30, s25;
	[sflag:s3] =	ssyncadd.s32 $0xFFFF8000  }
0x108: {  	[tilespmem:s2], [sflag:$0x2] =	stream.linear.gather [hbm4b:s25+s2], $0x200, $0x38;
	[tilespmem:$0x8200] =	vst v63  }
0x109: {  	_ =	swait.ge [sflag:s3], $0x200  }
0x10a: {  	[sflag:s3] =	ssyncset.done $0x0  }
0x10b: {  	[sflag:s3] =	ssyncadd.s32 $0xFFFFFE00  }
0x10c: {  	[tilespmem:s4], [sflag:$0x1] =	stream.indirect.gather [hbm4b:s6+s4], $0x40, s2, s4, $0xb8;
	[tilespmem:$0x8200] =	vst v63  }
0x10d: {  	_ =	swait.ge [sflag:s5], $0x8000  }
0x10e: {  	s26 =	sshll.u32 s26, $0x3;
	[sflag:s5] =	ssyncset.done $0x0  }
0x10f: {  	s26 =	sadd.s32 s28, s26;
	[sflag:s5] =	ssyncadd.s32 $0xFFFF8000  }
0x110: {  	[hbm4b:s26+s2] =	stream.linear.scatter [tilespmem:s4], [sflag:$0x2], $0x8000, $0x38;
	[tilespmem:$0x8200] =	vst v63  }
0x111: {  	s29 =	sadd.s32 $0x2400, s1;
	_ =	swait.ge [sflag:s3], $0x8000  }
0x112: {  	s31 =	smov.u32 s28;
	s28 =	sshrl.u32 s29, $0x3;
	[sflag:s3] =	ssyncset.done $0x0  }
0x113: {  	s28 =	sadd.s32 s30, s28;
	[sflag:s3] =	ssyncadd.s32 $0xFFFF8000  }
0x114: {  	[tilespmem:s2], [sflag:$0x2] =	stream.linear.gather [hbm4b:s28+s2], $0x200, $0x38;
	[tilespmem:$0x8200] =	vst v63  }
0x115: {  	_ =	swait.ge [sflag:s3], $0x200  }
0x116: {  	[sflag:s3] =	ssyncset.done $0x0  }
0x117: {  	[sflag:s3] =	ssyncadd.s32 $0xFFFFFE00  }
0x118: {  	[tilespmem:s4], [sflag:$0x1] =	stream.indirect.gather [hbm4b:s6+s4], $0x40, s2, s4, $0xb8;
	[tilespmem:$0x8200] =	vst v63  }
0x119: {  	_ =	swait.ge [sflag:s5], $0x8000  }
0x11a: {  	s29 =	sshll.u32 s29, $0x3;
	[sflag:s5] =	ssyncset.done $0x0  }
0x11b: {  	s29 =	sadd.s32 s31, s29;
	[sflag:s5] =	ssyncadd.s32 $0xFFFF8000  }
0x11c: {  	[hbm4b:s29+s2] =	stream.linear.scatter [tilespmem:s4], [sflag:$0x2], $0x8000, $0x38;
	[tilespmem:$0x8200] =	vst v63  }
0x11d: {  	s1 =	sadd.s32 $0x2600, s1;
	_ =	swait.ge [sflag:s3], $0x8000  }
0x11e: {  	s31 =	sshrl.u32 s1, $0x3;
	[sflag:s3] =	ssyncset.done $0x0  }
0x11f: {  	s30 =	sadd.s32 s30, s31;
	s31 =	ssub.s32 $0x2, s0;
	[sflag:s3] =	ssyncadd.s32 $0xFFFF8000  }
0x120: {  	[tilespmem:s2], [sflag:$0x2] =	stream.linear.gather [hbm4b:s30+s2], $0x200, $0x38;
	[tilespmem:$0x8200] =	vst v63  }
0x121: {  	s0 =	sshrl.u32 s31, $0x1;
	_ =	swait.ge [sflag:s3], $0x200  }
0x122: {  	s0 =	ssub.s32 s31, s0;
	[sflag:s3] =	ssyncset.done $0x0  }
0x123: {  	s0 =	smax.u32 s0, $0x1;
	[sflag:s3] =	ssyncadd.s32 $0xFFFFFE00  }
0x124: {  	[tilespmem:s4], [sflag:$0x1] =	stream.indirect.gather [hbm4b:s6+s4], $0x40, s2, s4, $0xb8;
	[tilespmem:$0x8200] =	vst v63  }
0x125: {  	p0 =	sne.s32 s0, $0x1;
	_ =	swait.ge [sflag:s5], $0x8000  }
.Ltmp0:
0x126: {  	[sflag:s5] =	ssyncset.done $0x0;
	(pc) =	sbr.rel @!p0 .LBB2_2-.Ltmp0, $4  }
0x127: {  	s1 =	sshll.u32 s1, $0x3;
	s31 =	rddreg [dreg:$0x6]  }
0x128: {  	[sflag:s5] =	ssyncadd.s32 $0xFFFF8000;
	s31 =	sadd.s32 s31, s1  }
0x129: {  	[hbm4b:s31+s2] =	stream.linear.scatter [tilespmem:s4], [sflag:$0x2], $0x8000, $0x38;
	[tilespmem:$0x8200] =	vst v63  }
0x12a: {  	s0 =	sadd.s32 $0xFFFFFFFF, s0;
	_ =	swait.ge [sflag:s3], $0x8000  }
.LBB2_1:
0x12b: {  	[sflag:s3] =	ssyncset.done $0x0  }
0x12c: {  	s1 =	rddreg [dreg:$0x9];
	[sflag:s3] =	ssyncadd.s32 $0xFFFF8000  }
0x12d: {  	[tilespmem:s2], [sflag:$0x2] =	stream.linear.gather [hbm4b:s1+s2], $0x200, $0x38;
	[tilespmem:$0x8200] =	vst v63  }
0x12e: {  	_ =	swait.ge [sflag:s3], $0x200  }
0x12f: {  	[sflag:s3] =	ssyncset.done $0x0  }
0x130: {  	s1 =	rddreg [dreg:$0x8];
	[sflag:s3] =	ssyncadd.s32 $0xFFFFFE00  }
0x131: {  	[tilespmem:s4], [sflag:$0x1] =	stream.indirect.gather [hbm4b:s1+s4], $0x40, s2, s4, $0xb8;
	[tilespmem:$0x8200] =	vst v63  }
0x132: {  	_ =	swait.ge [sflag:s5], $0x8000  }
0x133: {  	[sflag:s5] =	ssyncset.done $0x0  }
0x134: {  	s1 =	rddreg [dreg:$0xa];
	[sflag:s5] =	ssyncadd.s32 $0xFFFF8000  }
0x135: {  	[hbm4b:s1+s2] =	stream.linear.scatter [tilespmem:s4], [sflag:$0x2], $0x8000, $0x38;
	[tilespmem:$0x8200] =	vst v63  }
0x136: {  	_ =	swait.ge [sflag:s3], $0x8000  }
0x137: {  	[sflag:s3] =	ssyncset.done $0x0  }
0x138: {  	s1 =	rddreg [dreg:$0xb];
	[sflag:s3] =	ssyncadd.s32 $0xFFFF8000  }
0x139: {  	[tilespmem:s2], [sflag:$0x2] =	stream.linear.gather [hbm4b:s1+s2], $0x200, $0x38;
	[tilespmem:$0x8200] =	vst v63  }
0x13a: {  	_ =	swait.ge [sflag:s3], $0x200  }
0x13b: {  	[sflag:s3] =	ssyncset.done $0x0  }
0x13c: {  	[sflag:s3] =	ssyncadd.s32 $0xFFFFFE00  }
0x13d: {  	[tilespmem:s4], [sflag:$0x1] =	stream.indirect.gather [hbm4b:s6+s4], $0x40, s2, s4, $0xb8;
	[tilespmem:$0x8200] =	vst v63  }
0x13e: {  	_ =	swait.ge [sflag:s5], $0x8000  }
0x13f: {  	[sflag:s5] =	ssyncset.done $0x0  }
0x140: {  	s1 =	rddreg [dreg:$0xc];
	[sflag:s5] =	ssyncadd.s32 $0xFFFF8000  }
0x141: {  	[hbm4b:s1+s2] =	stream.linear.scatter [tilespmem:s4], [sflag:$0x2], $0x8000, $0x38;
	[tilespmem:$0x8200] =	vst v63  }
0x142: {  	_ =	swait.ge [sflag:s3], $0x8000  }
0x143: {  	[sflag:s3] =	ssyncset.done $0x0  }
0x144: {  	s1 =	rddreg [dreg:$0xd];
	[sflag:s3] =	ssyncadd.s32 $0xFFFF8000  }
0x145: {  	[tilespmem:s2], [sflag:$0x2] =	stream.linear.gather [hbm4b:s1+s2], $0x200, $0x38;
	[tilespmem:$0x8200] =	vst v63  }
0x146: {  	_ =	swait.ge [sflag:s3], $0x200  }
0x147: {  	[sflag:s3] =	ssyncset.done $0x0  }
0x148: {  	[sflag:s3] =	ssyncadd.s32 $0xFFFFFE00  }
0x149: {  	[tilespmem:s4], [sflag:$0x1] =	stream.indirect.gather [hbm4b:s6+s4], $0x40, s2, s4, $0xb8;
	[tilespmem:$0x8200] =	vst v63  }
0x14a: {  	_ =	swait.ge [sflag:s5], $0x8000  }
0x14b: {  	[sflag:s5] =	ssyncset.done $0x0  }
0x14c: {  	s1 =	rddreg [dreg:$0xe];
	[sflag:s5] =	ssyncadd.s32 $0xFFFF8000  }
0x14d: {  	[hbm4b:s1+s2] =	stream.linear.scatter [tilespmem:s4], [sflag:$0x2], $0x8000, $0x38;
	[tilespmem:$0x8200] =	vst v63  }
0x14e: {  	_ =	swait.ge [sflag:s3], $0x8000  }
0x14f: {  	[sflag:s3] =	ssyncset.done $0x0  }
0x150: {  	s1 =	rddreg [dreg:$0xf];
	[sflag:s3] =	ssyncadd.s32 $0xFFFF8000  }
0x151: {  	[tilespmem:s2], [sflag:$0x2] =	stream.linear.gather [hbm4b:s1+s2], $0x200, $0x38;
	[tilespmem:$0x8200] =	vst v63  }
0x152: {  	_ =	swait.ge [sflag:s3], $0x200  }
0x153: {  	[sflag:s3] =	ssyncset.done $0x0  }
0x154: {  	[sflag:s3] =	ssyncadd.s32 $0xFFFFFE00  }
0x155: {  	[tilespmem:s4], [sflag:$0x1] =	stream.indirect.gather [hbm4b:s6+s4], $0x40, s2, s4, $0xb8;
	[tilespmem:$0x8200] =	vst v63  }
0x156: {  	_ =	swait.ge [sflag:s5], $0x8000  }
0x157: {  	[sflag:s5] =	ssyncset.done $0x0  }
0x158: {  	s1 =	rddreg [dreg:$0x10];
	[sflag:s5] =	ssyncadd.s32 $0xFFFF8000  }
0x159: {  	[hbm4b:s1+s2] =	stream.linear.scatter [tilespmem:s4], [sflag:$0x2], $0x8000, $0x38;
	[tilespmem:$0x8200] =	vst v63  }
0x15a: {  	_ =	swait.ge [sflag:s3], $0x8000  }
0x15b: {  	[sflag:s3] =	ssyncset.done $0x0  }
0x15c: {  	s1 =	rddreg [dreg:$0x11];
	[sflag:s3] =	ssyncadd.s32 $0xFFFF8000  }
0x15d: {  	[tilespmem:s2], [sflag:$0x2] =	stream.linear.gather [hbm4b:s1+s2], $0x200, $0x38;
	[tilespmem:$0x8200] =	vst v63  }
0x15e: {  	_ =	swait.ge [sflag:s3], $0x200  }
0x15f: {  	[sflag:s3] =	ssyncset.done $0x0  }
0x160: {  	[sflag:s3] =	ssyncadd.s32 $0xFFFFFE00  }
0x161: {  	[tilespmem:s4], [sflag:$0x1] =	stream.indirect.gather [hbm4b:s6+s4], $0x40, s2, s4, $0xb8;
	[tilespmem:$0x8200] =	vst v63  }
0x162: {  	_ =	swait.ge [sflag:s5], $0x8000  }
0x163: {  	[sflag:s5] =	ssyncset.done $0x0  }
0x164: {  	s1 =	rddreg [dreg:$0x12];
	[sflag:s5] =	ssyncadd.s32 $0xFFFF8000  }
0x165: {  	[hbm4b:s1+s2] =	stream.linear.scatter [tilespmem:s4], [sflag:$0x2], $0x8000, $0x38;
	[tilespmem:$0x8200] =	vst v63  }
0x166: {  	_ =	swait.ge [sflag:s3], $0x8000  }
0x167: {  	[sflag:s3] =	ssyncset.done $0x0  }
0x168: {  	s1 =	rddreg [dreg:$0x13];
	[sflag:s3] =	ssyncadd.s32 $0xFFFF8000  }
0x169: {  	[tilespmem:s2], [sflag:$0x2] =	stream.linear.gather [hbm4b:s1+s2], $0x200, $0x38;
	[tilespmem:$0x8200] =	vst v63  }
0x16a: {  	_ =	swait.ge [sflag:s3], $0x200  }
0x16b: {  	[sflag:s3] =	ssyncset.done $0x0  }
0x16c: {  	[sflag:s3] =	ssyncadd.s32 $0xFFFFFE00  }
0x16d: {  	[tilespmem:s4], [sflag:$0x1] =	stream.indirect.gather [hbm4b:s6+s4], $0x40, s2, s4, $0xb8;
	[tilespmem:$0x8200] =	vst v63  }
0x16e: {  	_ =	swait.ge [sflag:s5], $0x8000  }
0x16f: {  	[sflag:s5] =	ssyncset.done $0x0  }
0x170: {  	s1 =	rddreg [dreg:$0x14];
	[sflag:s5] =	ssyncadd.s32 $0xFFFF8000  }
0x171: {  	[hbm4b:s1+s2] =	stream.linear.scatter [tilespmem:s4], [sflag:$0x2], $0x8000, $0x38;
	[tilespmem:$0x8200] =	vst v63  }
0x172: {  	_ =	swait.ge [sflag:s3], $0x8000  }
0x173: {  	[sflag:s3] =	ssyncset.done $0x0  }
0x174: {  	s1 =	rddreg [dreg:$0x15];
	[sflag:s3] =	ssyncadd.s32 $0xFFFF8000  }
0x175: {  	[tilespmem:s2], [sflag:$0x2] =	stream.linear.gather [hbm4b:s1+s2], $0x200, $0x38;
	[tilespmem:$0x8200] =	vst v63  }
0x176: {  	_ =	swait.ge [sflag:s3], $0x200  }
0x177: {  	[sflag:s3] =	ssyncset.done $0x0  }
0x178: {  	[sflag:s3] =	ssyncadd.s32 $0xFFFFFE00  }
0x179: {  	[tilespmem:s4], [sflag:$0x1] =	stream.indirect.gather [hbm4b:s6+s4], $0x40, s2, s4, $0xb8;
	[tilespmem:$0x8200] =	vst v63  }
0x17a: {  	_ =	swait.ge [sflag:s5], $0x8000  }
0x17b: {  	[sflag:s5] =	ssyncset.done $0x0  }
0x17c: {  	s1 =	rddreg [dreg:$0x16];
	[sflag:s5] =	ssyncadd.s32 $0xFFFF8000  }
0x17d: {  	[hbm4b:s1+s2] =	stream.linear.scatter [tilespmem:s4], [sflag:$0x2], $0x8000, $0x38;
	[tilespmem:$0x8200] =	vst v63  }
0x17e: {  	_ =	swait.ge [sflag:s3], $0x8000  }
0x17f: {  	[sflag:s3] =	ssyncset.done $0x0  }
0x180: {  	s1 =	rddreg [dreg:$0x17];
	[sflag:s3] =	ssyncadd.s32 $0xFFFF8000  }
0x181: {  	[tilespmem:s2], [sflag:$0x2] =	stream.linear.gather [hbm4b:s1+s2], $0x200, $0x38;
	[tilespmem:$0x8200] =	vst v63  }
0x182: {  	_ =	swait.ge [sflag:s3], $0x200  }
0x183: {  	[sflag:s3] =	ssyncset.done $0x0  }
0x184: {  	[sflag:s3] =	ssyncadd.s32 $0xFFFFFE00  }
0x185: {  	[tilespmem:s4], [sflag:$0x1] =	stream.indirect.gather [hbm4b:s6+s4], $0x40, s2, s4, $0xb8;
	[tilespmem:$0x8200] =	vst v63  }
0x186: {  	_ =	swait.ge [sflag:s5], $0x8000  }
0x187: {  	[sflag:s5] =	ssyncset.done $0x0  }
0x188: {  	s1 =	rddreg [dreg:$0x18];
	[sflag:s5] =	ssyncadd.s32 $0xFFFF8000  }
0x189: {  	[hbm4b:s1+s2] =	stream.linear.scatter [tilespmem:s4], [sflag:$0x2], $0x8000, $0x38;
	[tilespmem:$0x8200] =	vst v63  }
0x18a: {  	_ =	swait.ge [sflag:s3], $0x8000  }
0x18b: {  	[sflag:s3] =	ssyncset.done $0x0  }
0x18c: {  	s1 =	rddreg [dreg:$0x19];
	[sflag:s3] =	ssyncadd.s32 $0xFFFF8000  }
0x18d: {  	[tilespmem:s2], [sflag:$0x2] =	stream.linear.gather [hbm4b:s1+s2], $0x200, $0x38;
	[tilespmem:$0x8200] =	vst v63  }
0x18e: {  	_ =	swait.ge [sflag:s3], $0x200  }
0x18f: {  	[sflag:s3] =	ssyncset.done $0x0  }
0x190: {  	[sflag:s3] =	ssyncadd.s32 $0xFFFFFE00  }
0x191: {  	[tilespmem:s4], [sflag:$0x1] =	stream.indirect.gather [hbm4b:s6+s4], $0x40, s2, s4, $0xb8;
	[tilespmem:$0x8200] =	vst v63  }
0x192: {  	_ =	swait.ge [sflag:s5], $0x8000  }
0x193: {  	[sflag:s5] =	ssyncset.done $0x0  }
0x194: {  	s1 =	rddreg [dreg:$0x1a];
	[sflag:s5] =	ssyncadd.s32 $0xFFFF8000  }
0x195: {  	[hbm4b:s1+s2] =	stream.linear.scatter [tilespmem:s4], [sflag:$0x2], $0x8000, $0x38;
	[tilespmem:$0x8200] =	vst v63  }
0x196: {  	_ =	swait.ge [sflag:s3], $0x8000  }
0x197: {  	[sflag:s3] =	ssyncset.done $0x0  }
0x198: {  	s1 =	rddreg [dreg:$0x1b];
	[sflag:s3] =	ssyncadd.s32 $0xFFFF8000  }
0x199: {  	[tilespmem:s2], [sflag:$0x2] =	stream.linear.gather [hbm4b:s1+s2], $0x200, $0x38;
	[tilespmem:$0x8200] =	vst v63  }
0x19a: {  	_ =	swait.ge [sflag:s3], $0x200  }
0x19b: {  	[sflag:s3] =	ssyncset.done $0x0  }
0x19c: {  	[sflag:s3] =	ssyncadd.s32 $0xFFFFFE00  }
0x19d: {  	[tilespmem:s4], [sflag:$0x1] =	stream.indirect.gather [hbm4b:s6+s4], $0x40, s2, s4, $0xb8;
	[tilespmem:$0x8200] =	vst v63  }
0x19e: {  	_ =	swait.ge [sflag:s5], $0x8000  }
0x19f: {  	[sflag:s5] =	ssyncset.done $0x0  }
0x1a0: {  	s1 =	rddreg [dreg:$0x1c];
	[sflag:s5] =	ssyncadd.s32 $0xFFFF8000  }
0x1a1: {  	[hbm4b:s1+s2] =	stream.linear.scatter [tilespmem:s4], [sflag:$0x2], $0x8000, $0x38;
	[tilespmem:$0x8200] =	vst v63  }
0x1a2: {  	_ =	swait.ge [sflag:s3], $0x8000  }
0x1a3: {  	[sflag:s3] =	ssyncset.done $0x0  }
0x1a4: {  	[sflag:s3] =	ssyncadd.s32 $0xFFFF8000  }
0x1a5: {  	[tilespmem:s2], [sflag:$0x2] =	stream.linear.gather [hbm4b:s7+s2], $0x200, $0x38;
	[tilespmem:$0x8200] =	vst v63  }
0x1a6: {  	_ =	swait.ge [sflag:s3], $0x200  }
0x1a7: {  	[sflag:s3] =	ssyncset.done $0x0  }
0x1a8: {  	[sflag:s3] =	ssyncadd.s32 $0xFFFFFE00  }
0x1a9: {  	[tilespmem:s4], [sflag:$0x1] =	stream.indirect.gather [hbm4b:s6+s4], $0x40, s2, s4, $0xb8;
	[tilespmem:$0x8200] =	vst v63  }
0x1aa: {  	_ =	swait.ge [sflag:s5], $0x8000  }
0x1ab: {  	[sflag:s5] =	ssyncset.done $0x0  }
0x1ac: {  	[sflag:s5] =	ssyncadd.s32 $0xFFFF8000  }
0x1ad: {  	[hbm4b:s8+s2] =	stream.linear.scatter [tilespmem:s4], [sflag:$0x2], $0x8000, $0x38;
	[tilespmem:$0x8200] =	vst v63  }
0x1ae: {  	_ =	swait.ge [sflag:s3], $0x8000  }
0x1af: {  	[sflag:s3] =	ssyncset.done $0x0  }
0x1b0: {  	[sflag:s3] =	ssyncadd.s32 $0xFFFF8000  }
0x1b1: {  	[tilespmem:s2], [sflag:$0x2] =	stream.linear.gather [hbm4b:s9+s2], $0x200, $0x38;
	[tilespmem:$0x8200] =	vst v63  }
0x1b2: {  	_ =	swait.ge [sflag:s3], $0x200  }
0x1b3: {  	[sflag:s3] =	ssyncset.done $0x0  }
0x1b4: {  	[sflag:s3] =	ssyncadd.s32 $0xFFFFFE00  }
0x1b5: {  	[tilespmem:s4], [sflag:$0x1] =	stream.indirect.gather [hbm4b:s6+s4], $0x40, s2, s4, $0xb8;
	[tilespmem:$0x8200] =	vst v63  }
0x1b6: {  	_ =	swait.ge [sflag:s5], $0x8000  }
0x1b7: {  	[sflag:s5] =	ssyncset.done $0x0  }
0x1b8: {  	[sflag:s5] =	ssyncadd.s32 $0xFFFF8000  }
0x1b9: {  	[hbm4b:s10+s2] =	stream.linear.scatter [tilespmem:s4], [sflag:$0x2], $0x8000, $0x38;
	[tilespmem:$0x8200] =	vst v63  }
0x1ba: {  	_ =	swait.ge [sflag:s3], $0x8000  }
0x1bb: {  	[sflag:s3] =	ssyncset.done $0x0  }
0x1bc: {  	[sflag:s3] =	ssyncadd.s32 $0xFFFF8000  }
0x1bd: {  	[tilespmem:s2], [sflag:$0x2] =	stream.linear.gather [hbm4b:s11+s2], $0x200, $0x38;
	[tilespmem:$0x8200] =	vst v63  }
0x1be: {  	_ =	swait.ge [sflag:s3], $0x200  }
0x1bf: {  	[sflag:s3] =	ssyncset.done $0x0  }
0x1c0: {  	[sflag:s3] =	ssyncadd.s32 $0xFFFFFE00  }
0x1c1: {  	[tilespmem:s4], [sflag:$0x1] =	stream.indirect.gather [hbm4b:s6+s4], $0x40, s2, s4, $0xb8;
	[tilespmem:$0x8200] =	vst v63  }
0x1c2: {  	_ =	swait.ge [sflag:s5], $0x8000  }
0x1c3: {  	[sflag:s5] =	ssyncset.done $0x0  }
0x1c4: {  	[sflag:s5] =	ssyncadd.s32 $0xFFFF8000  }
0x1c5: {  	[hbm4b:s12+s2] =	stream.linear.scatter [tilespmem:s4], [sflag:$0x2], $0x8000, $0x38;
	[tilespmem:$0x8200] =	vst v63  }
0x1c6: {  	_ =	swait.ge [sflag:s3], $0x8000  }
0x1c7: {  	[sflag:s3] =	ssyncset.done $0x0  }
0x1c8: {  	[sflag:s3] =	ssyncadd.s32 $0xFFFF8000  }
0x1c9: {  	[tilespmem:s2], [sflag:$0x2] =	stream.linear.gather [hbm4b:s13+s2], $0x200, $0x38;
	[tilespmem:$0x8200] =	vst v63  }
0x1ca: {  	_ =	swait.ge [sflag:s3], $0x200  }
0x1cb: {  	[sflag:s3] =	ssyncset.done $0x0  }
0x1cc: {  	[sflag:s3] =	ssyncadd.s32 $0xFFFFFE00  }
0x1cd: {  	[tilespmem:s4], [sflag:$0x1] =	stream.indirect.gather [hbm4b:s6+s4], $0x40, s2, s4, $0xb8;
	[tilespmem:$0x8200] =	vst v63  }
0x1ce: {  	_ =	swait.ge [sflag:s5], $0x8000  }
0x1cf: {  	[sflag:s5] =	ssyncset.done $0x0  }
0x1d0: {  	[sflag:s5] =	ssyncadd.s32 $0xFFFF8000  }
0x1d1: {  	[hbm4b:s14+s2] =	stream.linear.scatter [tilespmem:s4], [sflag:$0x2], $0x8000, $0x38;
	[tilespmem:$0x8200] =	vst v63  }
0x1d2: {  	_ =	swait.ge [sflag:s3], $0x8000  }
0x1d3: {  	[sflag:s3] =	ssyncset.done $0x0  }
0x1d4: {  	[sflag:s3] =	ssyncadd.s32 $0xFFFF8000  }
0x1d5: {  	[tilespmem:s2], [sflag:$0x2] =	stream.linear.gather [hbm4b:s15+s2], $0x200, $0x38;
	[tilespmem:$0x8200] =	vst v63  }
0x1d6: {  	_ =	swait.ge [sflag:s3], $0x200  }
0x1d7: {  	[sflag:s3] =	ssyncset.done $0x0  }
0x1d8: {  	[sflag:s3] =	ssyncadd.s32 $0xFFFFFE00  }
0x1d9: {  	[tilespmem:s4], [sflag:$0x1] =	stream.indirect.gather [hbm4b:s6+s4], $0x40, s2, s4, $0xb8;
	[tilespmem:$0x8200] =	vst v63  }
0x1da: {  	_ =	swait.ge [sflag:s5], $0x8000  }
0x1db: {  	[sflag:s5] =	ssyncset.done $0x0  }
0x1dc: {  	[sflag:s5] =	ssyncadd.s32 $0xFFFF8000  }
0x1dd: {  	[hbm4b:s16+s2] =	stream.linear.scatter [tilespmem:s4], [sflag:$0x2], $0x8000, $0x38;
	[tilespmem:$0x8200] =	vst v63  }
0x1de: {  	_ =	swait.ge [sflag:s3], $0x8000  }
0x1df: {  	[sflag:s3] =	ssyncset.done $0x0  }
0x1e0: {  	[sflag:s3] =	ssyncadd.s32 $0xFFFF8000  }
0x1e1: {  	[tilespmem:s2], [sflag:$0x2] =	stream.linear.gather [hbm4b:s17+s2], $0x200, $0x38;
	[tilespmem:$0x8200] =	vst v63  }
0x1e2: {  	_ =	swait.ge [sflag:s3], $0x200  }
0x1e3: {  	[sflag:s3] =	ssyncset.done $0x0  }
0x1e4: {  	[sflag:s3] =	ssyncadd.s32 $0xFFFFFE00  }
0x1e5: {  	[tilespmem:s4], [sflag:$0x1] =	stream.indirect.gather [hbm4b:s6+s4], $0x40, s2, s4, $0xb8;
	[tilespmem:$0x8200] =	vst v63  }
0x1e6: {  	_ =	swait.ge [sflag:s5], $0x8000  }
0x1e7: {  	[sflag:s5] =	ssyncset.done $0x0  }
0x1e8: {  	[sflag:s5] =	ssyncadd.s32 $0xFFFF8000  }
0x1e9: {  	[hbm4b:s18+s2] =	stream.linear.scatter [tilespmem:s4], [sflag:$0x2], $0x8000, $0x38;
	[tilespmem:$0x8200] =	vst v63  }
0x1ea: {  	_ =	swait.ge [sflag:s3], $0x8000  }
0x1eb: {  	[sflag:s3] =	ssyncset.done $0x0  }
0x1ec: {  	[sflag:s3] =	ssyncadd.s32 $0xFFFF8000  }
0x1ed: {  	[tilespmem:s2], [sflag:$0x2] =	stream.linear.gather [hbm4b:s19+s2], $0x200, $0x38;
	[tilespmem:$0x8200] =	vst v63  }
0x1ee: {  	_ =	swait.ge [sflag:s3], $0x200  }
0x1ef: {  	[sflag:s3] =	ssyncset.done $0x0  }
0x1f0: {  	[sflag:s3] =	ssyncadd.s32 $0xFFFFFE00  }
0x1f1: {  	[tilespmem:s4], [sflag:$0x1] =	stream.indirect.gather [hbm4b:s6+s4], $0x40, s2, s4, $0xb8;
	[tilespmem:$0x8200] =	vst v63  }
0x1f2: {  	_ =	swait.ge [sflag:s5], $0x8000  }
0x1f3: {  	[sflag:s5] =	ssyncset.done $0x0  }
0x1f4: {  	[sflag:s5] =	ssyncadd.s32 $0xFFFF8000  }
0x1f5: {  	[hbm4b:s20+s2] =	stream.linear.scatter [tilespmem:s4], [sflag:$0x2], $0x8000, $0x38;
	[tilespmem:$0x8200] =	vst v63  }
0x1f6: {  	_ =	swait.ge [sflag:s3], $0x8000  }
0x1f7: {  	[sflag:s3] =	ssyncset.done $0x0  }
0x1f8: {  	[sflag:s3] =	ssyncadd.s32 $0xFFFF8000  }
0x1f9: {  	[tilespmem:s2], [sflag:$0x2] =	stream.linear.gather [hbm4b:s21+s2], $0x200, $0x38;
	[tilespmem:$0x8200] =	vst v63  }
0x1fa: {  	_ =	swait.ge [sflag:s3], $0x200  }
0x1fb: {  	[sflag:s3] =	ssyncset.done $0x0  }
0x1fc: {  	[sflag:s3] =	ssyncadd.s32 $0xFFFFFE00  }
0x1fd: {  	[tilespmem:s4], [sflag:$0x1] =	stream.indirect.gather [hbm4b:s6+s4], $0x40, s2, s4, $0xb8;
	[tilespmem:$0x8200] =	vst v63  }
0x1fe: {  	_ =	swait.ge [sflag:s5], $0x8000  }
0x1ff: {  	[sflag:s5] =	ssyncset.done $0x0  }
0x200: {  	[sflag:s5] =	ssyncadd.s32 $0xFFFF8000  }
0x201: {  	[hbm4b:s22+s2] =	stream.linear.scatter [tilespmem:s4], [sflag:$0x2], $0x8000, $0x38;
	[tilespmem:$0x8200] =	vst v63  }
0x202: {  	_ =	swait.ge [sflag:s3], $0x8000  }
0x203: {  	[sflag:s3] =	ssyncset.done $0x0  }
0x204: {  	[sflag:s3] =	ssyncadd.s32 $0xFFFF8000  }
0x205: {  	[tilespmem:s2], [sflag:$0x2] =	stream.linear.gather [hbm4b:s23+s2], $0x200, $0x38;
	[tilespmem:$0x8200] =	vst v63  }
0x206: {  	_ =	swait.ge [sflag:s3], $0x200  }
0x207: {  	[sflag:s3] =	ssyncset.done $0x0  }
0x208: {  	[sflag:s3] =	ssyncadd.s32 $0xFFFFFE00  }
0x209: {  	[tilespmem:s4], [sflag:$0x1] =	stream.indirect.gather [hbm4b:s6+s4], $0x40, s2, s4, $0xb8;
	[tilespmem:$0x8200] =	vst v63  }
0x20a: {  	_ =	swait.ge [sflag:s5], $0x8000  }
0x20b: {  	[sflag:s5] =	ssyncset.done $0x0  }
0x20c: {  	[sflag:s5] =	ssyncadd.s32 $0xFFFF8000  }
0x20d: {  	[hbm4b:s24+s2] =	stream.linear.scatter [tilespmem:s4], [sflag:$0x2], $0x8000, $0x38;
	[tilespmem:$0x8200] =	vst v63  }
0x20e: {  	_ =	swait.ge [sflag:s3], $0x8000  }
0x20f: {  	[sflag:s3] =	ssyncset.done $0x0  }
0x210: {  	[sflag:s3] =	ssyncadd.s32 $0xFFFF8000  }
0x211: {  	[tilespmem:s2], [sflag:$0x2] =	stream.linear.gather [hbm4b:s25+s2], $0x200, $0x38;
	[tilespmem:$0x8200] =	vst v63  }
0x212: {  	_ =	swait.ge [sflag:s3], $0x200  }
0x213: {  	[sflag:s3] =	ssyncset.done $0x0  }
0x214: {  	[sflag:s3] =	ssyncadd.s32 $0xFFFFFE00  }
0x215: {  	[tilespmem:s4], [sflag:$0x1] =	stream.indirect.gather [hbm4b:s6+s4], $0x40, s2, s4, $0xb8;
	[tilespmem:$0x8200] =	vst v63  }
0x216: {  	_ =	swait.ge [sflag:s5], $0x8000  }
0x217: {  	[sflag:s5] =	ssyncset.done $0x0  }
0x218: {  	[sflag:s5] =	ssyncadd.s32 $0xFFFF8000  }
0x219: {  	[hbm4b:s26+s2] =	stream.linear.scatter [tilespmem:s4], [sflag:$0x2], $0x8000, $0x38;
	[tilespmem:$0x8200] =	vst v63  }
0x21a: {  	_ =	swait.ge [sflag:s3], $0x8000  }
0x21b: {  	[sflag:s3] =	ssyncset.done $0x0  }
0x21c: {  	[sflag:s3] =	ssyncadd.s32 $0xFFFF8000  }
0x21d: {  	[tilespmem:s2], [sflag:$0x2] =	stream.linear.gather [hbm4b:s28+s2], $0x200, $0x38;
	[tilespmem:$0x8200] =	vst v63  }
0x21e: {  	_ =	swait.ge [sflag:s3], $0x200  }
0x21f: {  	[sflag:s3] =	ssyncset.done $0x0  }
0x220: {  	[sflag:s3] =	ssyncadd.s32 $0xFFFFFE00  }
0x221: {  	[tilespmem:s4], [sflag:$0x1] =	stream.indirect.gather [hbm4b:s6+s4], $0x40, s2, s4, $0xb8;
	[tilespmem:$0x8200] =	vst v63  }
0x222: {  	_ =	swait.ge [sflag:s5], $0x8000  }
0x223: {  	[sflag:s5] =	ssyncset.done $0x0  }
0x224: {  	[sflag:s5] =	ssyncadd.s32 $0xFFFF8000  }
0x225: {  	[hbm4b:s29+s2] =	stream.linear.scatter [tilespmem:s4], [sflag:$0x2], $0x8000, $0x38;
	[tilespmem:$0x8200] =	vst v63  }
0x226: {  	_ =	swait.ge [sflag:s3], $0x8000  }
0x227: {  	[sflag:s3] =	ssyncset.done $0x0  }
0x228: {  	[sflag:s3] =	ssyncadd.s32 $0xFFFF8000  }
0x229: {  	[tilespmem:s2], [sflag:$0x2] =	stream.linear.gather [hbm4b:s30+s2], $0x200, $0x38;
	[tilespmem:$0x8200] =	vst v63  }
0x22a: {  	_ =	swait.ge [sflag:s3], $0x200  }
0x22b: {  	[sflag:s3] =	ssyncset.done $0x0  }
0x22c: {  	p0 =	sne.s32 s0, $0x1;
	[sflag:s3] =	ssyncadd.s32 $0xFFFFFE00  }
0x22d: {  	[tilespmem:s4], [sflag:$0x1] =	stream.indirect.gather [hbm4b:s6+s4], $0x40, s2, s4, $0xb8;
	[tilespmem:$0x8200] =	vst v63  }
.Ltmp1:
0x22e: {  	_ =	swait.ge [sflag:s5], $0x8000;
	(pc) =	sbr.rel @p0 .LBB2_1-.Ltmp1, $4  }
0x22f: {  	[sflag:s5] =	ssyncset.done $0x0  }
0x230: {  	[sflag:s5] =	ssyncadd.s32 $0xFFFF8000  }
0x231: {  	[hbm4b:s31+s2] =	stream.linear.scatter [tilespmem:s4], [sflag:$0x2], $0x8000, $0x38;
	[tilespmem:$0x8200] =	vst v63  }
0x232: {  	s0 =	sadd.s32 $0xFFFFFFFF, s0;
	_ =	swait.ge [sflag:s3], $0x8000  }
.LBB2_2:
0x233: {  	[sflag:s3] =	ssyncset.done $0x0  }
0x234: {  	[sflag:s3] =	ssyncadd.s32 $0xFFFF8000  }
0x235: {  	_ =	sfence.sel $0x180000  }
0x236: {  	[bflag:$0x0] =	sbarrier.arrive $0xFFFF  }
0x237: {  	_ =	strace $0x90000047  }
0x238: {  	s0 =	stileid.u32;
	[bflag:$0x2] =	sbarrier.arrive $0xFFFF  }
0x239: {  	p0 =	sne.s32 s0, $0x0;
	s0 =	rddreg [dreg:$0x7]  }
0x23a: {  	s0 =	sadd.s32 @!p0 $0x100000, s0  }
0x23b: {  	[sflag:s0] =	ssyncadd.tile.s32 @!p0 $0x1;
	_ =	shalt  }
.Lfunc_end2:
_tile_overlayer_lowered:
.L_overlay_start_2:
0x23c: {  	(tag) =	ssettag $0x2  }
0x23d: {  	s0 =	rddreg [dreg:$0x0];
	s2 =	stileid.u32  }
0x23e: {  	s1 =	rddreg [dreg:$0x1];
	p0 =	sne.s32 s2, $0x0  }
0x23f: {  	s3 =	rddreg [dreg:$0x2];
	[bflag:$0x3] =	sbarrier.arrive $0xFFFF;
	s2 =	simm.s32 @!p0 $0x1C02  }
0x240: {  	[timem:s3], [sflag:s2] =	dma.local @!p0 [hbm:s0], s1  }
0x241: {  	s0 =	simm.s32 @!p0 $0x2  }
0x242: {  	_ =	swait.ge @!p0 [sflag:s0], s1  }
0x243: {  	s1 =	ssub.s32 @!p0 $0x0, s1;
	[sflag:s0] =	ssyncset.done @!p0 $0x0  }
0x244: {  	[sflag:s0] =	ssyncadd.s32 @!p0 s1  }
0x245: {  	[bflag:$0x3] =	sbarrier.arrive $0xFFFF  }
0x246: {  	_ =	shalt  }

// kernel: sparse-core-data-format-call.cloned.1.call-start
scs
called_computation_lowered:
.L_overlay_start_0:
0x0: {  	s2 =	sld [smem:$0x3FD9]  }
0x1: {  	s3 =	sld [smem:$0x3FFE];
	_ =	sdelay $0x1  }
0x2: {  	s1 =	srdreg.scid  }
0x3: {  	s0 =	sand.u32 $0x1, s1  }
0x4: {  	s15 =	sshll.u32 s0, $0xA;
	s2 =	sadd.s32 s3, s2  }
0x5: {  	s2 =	sadd.s32 s2, s15  }
0x6: {  	[smem:$0x3FC3] =	sst s2  }
0x7: {  	_ = 	snop  }
0x8: {  	s2 =	sld [smem:$0x3FD0];
	_ =	sdelay $0x2  }
0x9: {  	s16 =	simm.s32 $0xA;
	s4 =	simm.s32 $0x10  }
0xa: {  	[smem:s4], [sflag:s16] =	dma.local [hbm:s2], $0x1  }
0xb: {  	_ =	swait.eq [sflag:s16], $0x1  }
0xc: {  	[sflag:s16] =	ssyncset.done $0x0  }
0xd: {  	[sflag:s16] =	ssyncadd.s32 $0xFFFFFFFF  }
0xe: {  	s17 =	sld [smem:$0x12];
	(tm) =	ssettm $0x1  }
0xf: {  	s18 =	sld [smem:$0x3FFB];
	_ =	sdelay $0x3  }
0x10: {  	_ =	strace s18  }
0x11: {  	s3 =	sld [smem:$0x3FFC];
	_ =	sdelay $0x3  }
0x12: {  	_ =	strace s3  }
0x13: {  	s3 =	sld [smem:$0x3FFD];
	_ =	sdelay $0x3  }
0x14: {  	_ =	strace s3  }
0x15: {  	_ =	strace $0x8FFFFFFF  }
0x16: {  	s19 =	sld [smem:$0x3FDB];
	_ =	sdelay $0x1  }
0x17: {  	s20 =	simm.s32 $_scs_section_size  }
0x18: {  	s5 =	simm.s32 $_size__tile_overlayer_lowered;
	s6 =	simm.s32 $_tile_overlayer_lowered  }
0x19: {  	s23 =	simm.s32 $0x1BFF;
	s22 =	sshll.u32 s6, $0x1;
	s3 =	sadd.s32 s20, s19  }
0x1a: {  	s7 =	simm.s32 $0x0;
	s21 =	sshll.u32 s5, $0x1;
	s5 =	sadd.s32 s22, s3  }
0x1b: {  	[timem:s7], [sflag:s23] =	dma.local [hbm:s5], s21  }
0x1c: {  	_ =	swait.ge [sflag:s23], s21  }
0x1d: {  	s4 =	ssub.s32 $0x0, s21;
	[sflag:s23] =	ssyncset.done $0x0  }
0x1e: {  	[sflag:s23] =	ssyncadd.s32 s4;
	_ =	sdelay $0x1  }
0x1f: {  	s24 =	simm.s32 $0x1B8B  }
0x20: {  	_ =	swait.ge [sflag:s24], $0x1  }
0x21: {  	[sflag:s24] =	ssyncset.done $0x0  }
0x22: {  	s26 =	simm.s32 $0x1B8E;
	s25 =	sld [smem:$0x3FFE];
	[sflag:s24] =	ssyncadd.s32 $0xFFFFFFFF  }
0x23: {  	s27 =	simm.s32 $execute0_lowered;
	[smem:$0x3FD2] =	sst s26  }
0x24: {  	s5 =	sshll.u32 s27, $0x1;
	_ =	strace $0x80000049;
	[dreg:$0x1] =	wrdreg $0xFFFFFFFF  }
0x25: {  	s28 =	simm.s32 $_size_execute0_lowered;
	s3 =	sadd.s32 s3, s5;
	[dreg:$0x0] =	wrdreg $0x0  }
0x26: {  	s5 =	sshll.u32 s28, $0x1;
	[dreg:$0x2] =	wrdreg s3  }
0x27: {  	[dreg:$0x3] =	wrdreg s5  }
0x28: {  	[dreg:$0x4] =	wrdreg $0xC0  }
0x29: {  	_ =	task [dreg:s7], $0x5FFFF  }
0x2a: {  	[dreg:$0x1] =	wrdreg $0xFFFFFFFF  }
0x2b: {  	[dreg:$0x0] =	wrdreg $0x60  }
0x2c: {  	[dreg:$0x2] =	wrdreg s25  }
0x2d: {  	[dreg:$0x3] =	wrdreg s17  }
0x2e: {  	[dreg:$0x4] =	wrdreg $0x9  }
0x2f: {  	_ =	task.clear_ibuf [dreg:s7], $0x5FFFF;
	_ =	strace $0x90000049  }
0x30: {  	s29 =	simm.s32 $0x9;
	_ =	strace $0x8000004B  }
0x31: {  	_ =	swait.ge [sflag:s29], $0x1  }
0x32: {  	[sflag:s29] =	ssyncadd.s32 $0xFFFFFFFF  }
0x33: {  	_ =	strace $0x9000004B  }
0x34: {  	_ =	sfence  }
0x35: {  	s30 =	sld [smem:$0x0];
	_ =	sdelay $0x2  }
0x36: {  	s31 =	sshll.u32 s1, $0xD;
	s1 =	sshrl.u32 s1, $0x2  }
0x37: {  	s3 =	sand.u32 $0x4000, s31;
	s1 =	sadd.s32 s1, s30  }
0x38: {  	s0 =	sor.u32 s3, s0;
	s1 =	sshll.u32 s1, $0x11  }
0x39: {  	s0 =	sor.u32 s1, s0  }
0x3a: {  	s0 =	sadd.s32 $0x8F2B, s0  }
0x3b: {  	[sflag:s0] =	ssyncadd.remote.s32 $0x1  }
0x3c: {  	_ =	sfence.sel $0xFFFF  }
0x3d: {  	[dreg:$0x0] =	wrdreg $0xFFFFFFFF;
	(pc) =	sbr.abs _section_cstart, $3  }
0x3e: {  	[dreg:$0x1] =	wrdreg $0xFFFFFFFF  }
0x3f: {  	_ =	task.clear_ibuf [dreg:s7], $0x2FFFF;
	_ =	strace $0x9FFFFFFF  }
0x40: {  	(tm) =	ssettm $0x7FFFFFFF  }
0x41: {  	_ =	shalt  }
tec
execute0_lowered:
.L_overlay_start_1:
0x0: {  	(tag) =	ssettag $0x1  }
0x1: {  	s0 =	srdreg.scid  }
0x2: {  	s1 =	sshll.u32 s0, $0x4  }
0x3: {  	s4 =	rddreg [dreg:$0x0];
	s0 =	stileid.u32;
	s1 =	sand.u32 $0x10, s1  }
0x4: {  	s2 =	rddreg [dreg:$0x1];
	s7 =	simm.s32 $0x1;
	s1 =	sor.u32 s0, s1  }
0x5: {  	s8 =	simm.s32 $0x2;
	s11 =	simm.s32 $0x0;
	s3 =	sshll.u32 s1, $0x7  }
0x6: {  	s10 =	simm.s32 $0x0;
	s4 =	sadd.s32 $0x1000, s4;
	s6 =	ssub.s32 $0x50000, s3  }
.Ltmp0:
0x7: {  	s1 =	rddreg [dreg:$0x2];
	s5 =	sand.u32 $0xF80, s6;
	(pc) =	sbr.rel .LBB1_1-.Ltmp0, $4  }
0x8: {  	_ =	strace $0x8000004A;
	s9 =	smov.u32 s3;
	p0 =	sne.s32 s5, $0x0  }
0x9: {  	s6 =	sshrl.u32 s6, $0xC;
	s5 =	simm.s32 $0x1;
	s7 =	simm.s32 @!p0 $0x0  }
0xa: {  	[sflag:s5] =	ssyncpa.u1 $0x0;
	p0 =	por $0x0, $0x0;
	s6 =	sadd.s32 s7, s6  }
0xb: {  	[sflag:s8] =	ssyncpa.u1 $0x0;
	s8 =	simm.s32 $0x280000;
	s7 =	sadd.s32 $0x1, s6  }
.LBB1_4:
0xc: {  	s14 =	sshll.u32 s11, $0x3  }
0xd: {  	s30 =	sand.u32 $0x7F, s11;
	s15 =	sand.u32 $0xFFFFFC00, s14  }
0xe: {  	s11 =	sor.u32 s30, s15  }
0xf: {  	s15 =	smulhi.u32 $0xCCCCCCCD, s11  }
0x10: {  	s14 =	smulhi.u32 $0xCCCCCCCD, s14  }
0x11: {  	s15 =	sshrl.u32 s15, $0x12  }
0x12: {  	s14 =	sshrl.u32 s14, $0x12;
	s15 =	smul.u32 $0x50000, s15  }
0x13: {  	s14 =	sand.u32 $0x3F, s14  }
0x14: {  	s14 =	smul.u32 $0xA000, s14;
	s11 =	ssub.s32 s11, s15  }
0x15: {  	[tilespmem:s13+$0x810 ss:$0x81] =	vst.msk $0xffff, v2;
	s15 =	sand.u32 $0x7, s11  }
0x16: {  	[tilespmem:s13+$0x1020 ss:$0x81] =	vst.msk $0xffff, v0;
	s14 =	sadd.s32 s2, s14;
	s11 =	sshrl.u32 s11, $0x3;
	s15 =	sshll.u32 s15, $0x12  }
0x17: {  	[tilespmem:s13+$0x0 ss:$0x81] =	vst.msk $0xffff, v1;
	s11 =	sadd.s32 s11, s14;
	s31 =	sor.u32 $0x400, s15  }
0x18: {  	[hbm4b:s11+s31] =	stream.strided.scatter [tilespmem:s12], [sflag:$0x2], $0x2000, s8, s31, $0x20;
	[tilespmem:$0x8080] =	vst v63  }
.LBB1_5:
0x19: {  	s13 =	sadd.s32 $0x1000, s9  }
0x1a: {  	p2 =	sgt.s32 s13, $0x4FFFF  }
0x1b: {  	s13 =	smov.u32 @p2 s3;
	p2 =	sne.s32 s10, s7  }
.Ltmp1:
0x1c: {  	p1 =	slt.u32 s10, $0x2;
	(pc) =	sbr.rel @!p2 .LBB1_6-.Ltmp1, $4  }
0x1d: {  	s12 =	simm.s32 @!p1 $0x2  }
0x1e: {  	s14 =	sadd.s32 $0x1, s10;
	_ =	swait.ge @!p1 [sflag:s12], $0x2000  }
0x1f: {  	s11 =	smov.u32 s9;
	p0 =	por !p0, !p0;
	[sflag:s12] =	ssyncset.done @!p1 $0x0  }
0x20: {  	s10 =	smov.u32 s14;
	s9 =	smov.u32 s13;
	[sflag:s12] =	ssyncadd.s32 @!p1 $0xFFFFE000  }
.LBB1_1:
0x21: {  	p1 =	sge.u32 s10, s6  }
0x22: {  	s12 =	sand.u32 @!p1 $0x1FFFFFF, s9  }
0x23: {  	s13 =	smulhi.u32 @!p1 $0xCCCCCD, s12;
	_ =	sdelay $0x1  }
0x24: {  	s13 =	sshrl.u32 @!p1 s13, $0xA  }
0x25: {  	s13 =	smul.u32 @!p1 $0x50000, s13;
	_ =	sdelay $0x1  }
0x26: {  	s31 =	sadd.s32 $0xFFFFFFFF, s10;
	s14 =	sxor.u32 @!p1 $0xFFFFFFFF, s10;
	s12 =	ssub.s32 @!p1 s12, s13  }
0x27: {  	s15 =	simm.s32 @!p1 $0x80;
	s14 =	sshll.u32 @!p1 s14, $0xD;
	s12 =	sshll.u32 @!p1 s12, $0x4  }
0x28: {  	s13 =	sand.u32 @!p1 $0x2000, s14;
	s14 =	simm.s32 @!p1 $0x40;
	s12 =	sadd.s32 @!p1 s4, s12  }
0x29: {  	[tilespmem:s13], [sflag:$0x1] =	stream.strided.gather @!p1 [hbm4b:s12+s14], $0x2000, s15, s14, $0x38;
	[tilespmem:$0x8080] =	vst v63  }
0x2a: {  	p1 =	sge.u32 s31, s6  }
.Ltmp2:
0x2b: {  	_ = 	snop;
	(pc) =	sbr.rel @p1 .LBB1_5-.Ltmp2, $1  }
0x2c: {  	_ =	sdelay $0x3  }
0x2d: {  	s12 =	simm.s32 $0x1  }
0x2e: {  	_ =	swait.ge [sflag:s5], $0x2000;
	s12 =	simm.s32 @!p0 $0x0  }
0x2f: {  	[sflag:s5] =	ssyncset.done $0x0;
	s13 =	sshll.u32 s12, $0xD  }
0x30: {  	[sflag:s5] =	ssyncadd.s32 $0xFFFFE000;
	s16 =	sor.u32 $0x20, s13  }
0x31: {  	s12 =	smul.u32 $0x8100, s12;
	v3 =	vld [tilespmem:s16+$0x10]  }
0x32: {  	s30 =	sand.u32 $0x1, s10;
	v2 =	vld [tilespmem:s16+$0xFFFFFFF0]  }
0x33: {  	s13 =	smul.u32 $0x8100, s30;
	s12 =	sshrl.u32 s12, $0x2;
	v0 =	vld [tilespmem:s16+$0x0]  }
0x34: {  	v1 =	vld [tilespmem:s16+$0xFFFFFFE0];
	s14 =	sor.u32 $0x4000, s12  }
0x35: {  	s31 =	sshrl.u32 s13, $0x2;
	s13 =	sadd.s32 $0x0, s14  }
0x36: {  	s15 =	simm.s32 $0x4;
	s16 =	sadd.s32 $0x40, s16;
	s12 =	sor.u32 $0x4000, s31;
	[tilespmem:s13+$0x1830 ss:$0x81] =	vst.msk $0xffff, v3  }
.LBB1_3:
0x37: {  	v3 =	vld [tilespmem:s16+$0x10];
	p1 =	sne.s32 s15, $0x1FC;
	[tilespmem:s13+$0x810 ss:$0x81] =	vst.msk $0xffff, v2;
	s17 =	smov.u32 s15;
	s15 =	sadd.s32 $0x4, s15  }
.Ltmp3:
0x38: {  	v2 =	vld [tilespmem:s16+$0xFFFFFFF0];
	[tilespmem:s13+$0x1020 ss:$0x81] =	vst.msk $0xffff, v0;
	(pc) =	sbr.rel @p1 .LBB1_3-.Ltmp3, $4  }
0x39: {  	v0 =	vld [tilespmem:s16+$0x0];
	[tilespmem:s13+$0x0 ss:$0x81] =	vst.msk $0xffff, v1  }
0x3a: {  	s13 =	sshra.s32 s17, $0x2;
	v1 =	vld [tilespmem:s16+$0xFFFFFFE0]  }
0x3b: {  	s13 =	sadd.s32 s13, s14  }
0x3c: {  	s16 =	sadd.s32 $0x40, s16;
	[tilespmem:s13+$0x1830 ss:$0x81] =	vst.msk $0xffff, v3  }
.Ltmp4:
0x3d: {  	_ = 	snop;
	(pc) =	sbr.rel .LBB1_4-.Ltmp4, $1  }
0x3e: {  	_ =	sdelay $0x3  }
.LBB1_6:
0x3f: {  	_ =	sfence.sel $0x180000  }
0x40: {  	s2 =	simm.s32 $0x1;
	[bflag:$0x0] =	sbarrier.arrive $0xFFFF  }
0x41: {  	s31 =	simm.s32 $0x2;
	[sflag:s2] =	ssyncpa.u1 $0x1  }
0x42: {  	[sflag:s31] =	ssyncpa.u1 $0x1  }
0x43: {  	p0 =	sne.s32 s0, $0x0;
	_ =	strace $0x9000004A  }
0x44: {  	s0 =	sadd.s32 @!p0 $0x100000, s1;
	[bflag:$0x2] =	sbarrier.arrive $0xFFFF  }
0x45: {  	[sflag:s0] =	ssyncadd.tile.s32 @!p0 $0x1;
	_ =	shalt  }
.Lfunc_end1:
_tile_overlayer_lowered:
.L_overlay_start_2:
0x46: {  	(tag) =	ssettag $0x2  }
0x47: {  	s0 =	rddreg [dreg:$0x0];
	s2 =	stileid.u32  }
0x48: {  	s1 =	rddreg [dreg:$0x1];
	p0 =	sne.s32 s2, $0x0  }
0x49: {  	s3 =	rddreg [dreg:$0x2];
	[bflag:$0x3] =	sbarrier.arrive $0xFFFF;
	s2 =	simm.s32 @!p0 $0x1C01  }
0x4a: {  	[timem:s3], [sflag:s2] =	dma.local @!p0 [hbm:s0], s1  }
0x4b: {  	s0 =	simm.s32 @!p0 $0x1  }
0x4c: {  	_ =	swait.ge @!p0 [sflag:s0], s1  }
0x4d: {  	s1 =	ssub.s32 @!p0 $0x0, s1;
	[sflag:s0] =	ssyncset.done @!p0 $0x0  }
0x4e: {  	[sflag:s0] =	ssyncadd.s32 @!p0 s1  }
0x4f: {  	[bflag:$0x3] =	sbarrier.arrive $0xFFFF  }
0x50: {  	_ =	shalt  }

</sc_bundles>
